<compile_context>
chip_gen: v7x
topology: tpu7x:2x2x1
jax: 0.10.2.dev20260603
libtpu: 0.0.44.dev20260713+nightly
codegen_flags: <defaults>
</compile_context>

<pallas_src>
import functools

import jax
import jax.numpy as jnp
from jax import lax
from jax.experimental import pallas as pl
from jax.experimental.pallas import tpu as pltpu
from jax.experimental.pallas import tpu_sc as plsc

_MAX_ROWS = 30
_MAX_COLS = 30
_NUM_COLORS = 10
_HIDDEN = 512
_EPS = 1e-5
_NVALID = _MAX_ROWS * _MAX_COLS * _NUM_COLORS
_NINV = _MAX_ROWS * _MAX_COLS
_ROWS_PER_R = _MAX_COLS * _NUM_COLORS


def _ln(x, g, b):
    mu = jnp.mean(x, axis=-1, keepdims=True)
    xc = x - mu
    var = jnp.mean(xc * xc, axis=-1, keepdims=True)
    return xc * lax.rsqrt(var + _EPS) * g + b


def _build_tables_body(tbl_ref, row_ref, cc_ref, colb_ref, gamma_ref, beta_ref,
                       outv_ref, outi_ref):
    g = gamma_ref[...]
    b = beta_ref[...]
    outv_ref[...] = _ln(tbl_ref[...] + row_ref[...] + cc_ref[...], g, b)
    outi_ref[...] = _ln(row_ref[...] + colb_ref[...], g, b)


def _build_fused_tables(tbl, row_table, cc, colb, gamma2, beta2):
    tbl3 = tbl.reshape(_MAX_ROWS, _ROWS_PER_R, _HIDDEN)
    row3 = row_table.reshape(_MAX_ROWS, 1, _HIDDEN)
    outv, outi = pl.pallas_call(
        _build_tables_body,
        grid=(_MAX_ROWS,),
        in_specs=[
            pl.BlockSpec((1, _ROWS_PER_R, _HIDDEN), lambda i: (i, 0, 0)),
            pl.BlockSpec((1, 1, _HIDDEN), lambda i: (i, 0, 0)),
            pl.BlockSpec((_ROWS_PER_R, _HIDDEN), lambda i: (0, 0)),
            pl.BlockSpec((_MAX_COLS, _HIDDEN), lambda i: (0, 0)),
            pl.BlockSpec((1, _HIDDEN), lambda i: (0, 0)),
            pl.BlockSpec((1, _HIDDEN), lambda i: (0, 0)),
        ],
        out_specs=[
            pl.BlockSpec((1, _ROWS_PER_R, _HIDDEN), lambda i: (i, 0, 0)),
            pl.BlockSpec((1, _MAX_COLS, _HIDDEN), lambda i: (i, 0, 0)),
        ],
        out_shape=[
            jax.ShapeDtypeStruct((_MAX_ROWS, _ROWS_PER_R, _HIDDEN), jnp.float32),
            jax.ShapeDtypeStruct((_MAX_ROWS, _MAX_COLS, _HIDDEN), jnp.float32),
        ],
    )(tbl3, row3, cc, colb, gamma2, beta2)
    return outv.reshape(_NVALID, _HIDDEN), outi.reshape(_NINV, _HIDDEN)


def _sc_gather(fused, idx_t):
    info = plsc.get_sparse_core_info()
    nc, ns = info.num_cores, info.num_subcores
    nw = nc * ns
    d = fused.shape[1]
    n = idx_t.shape[0]
    bpw = n // nw
    ch = 64
    nb = 2
    steps = bpw // ch
    groups = steps // nb
    mesh = plsc.VectorSubcoreMesh(core_axis_name="c", subcore_axis_name="s")

    idx3 = idx_t.reshape(nw, ch, steps).transpose(0, 2, 1)
    pos3 = jnp.arange(n, dtype=jnp.int32).reshape(nw, ch, steps).transpose(0, 2, 1)
    idx_flat = idx3.reshape(-1)

    @functools.partial(
        pl.kernel,
        mesh=mesh,
        out_type=jax.ShapeDtypeStruct((n, d), jnp.float32),
        scratch_types=(
            [pltpu.VMEM((bpw,), jnp.int32)]
            + [pltpu.VMEM((1, ch), jnp.int32) for _ in range(nb)]
            + [pltpu.VMEM((ch, d), jnp.float32) for _ in range(nb)]
            + [pltpu.SemaphoreType.DMA for _ in range(2 * nb)]
        ),
    )
    def k(fused_hbm, idx_hbm, pos_hbm, out_hbm, idx_v, *rest):
        poss = rest[:nb]
        bufs = rest[nb:2 * nb]
        gsems = rest[2 * nb:3 * nb]
        osems = rest[3 * nb:]
        wid = lax.axis_index("s") * nc + lax.axis_index("c")
        pltpu.sync_copy(idx_hbm.at[pl.ds(wid * bpw, bpw)], idx_v)

        def gather_desc(g, b):
            return pltpu.make_async_copy(
                fused_hbm.at[idx_v.at[pl.ds(g * ch, ch)]], bufs[b], gsems[b])

        def out_desc(b):
            return pltpu.make_async_copy(
                bufs[b], out_hbm.at[poss[b].at[0]], osems[b])

        for b in range(nb):
            gather_desc(b, b).start()

        def body(t, carry):
            g0 = t * nb
            for b in range(nb):
                gather_desc(g0 + b, b).wait()
                pltpu.sync_copy(pos_hbm.at[wid, pl.ds(g0 + b, 1)], poss[b])
                out_desc(b).start()
            for b in range(nb):
                out_desc(b).wait()

                @pl.when(g0 + nb + b < steps)
                def _():
                    gather_desc(g0 + nb + b, b).start()
            return carry

        lax.fori_loop(0, groups, body, 0)

    return k(fused, idx_flat, pos3)


def kernel(color_grid, valid_mask, coord_color_table, row_table, col_table,
           W_color, b_color, W_valid, b_valid, ln_gamma, ln_beta):
    bsz, h, w = color_grid.shape
    f32 = jnp.float32

    bias = (b_color + b_valid).astype(f32)
    wc_rows = W_color.T.astype(f32)
    wv_row = W_valid[:, 0].astype(f32)
    cc = (col_table[:, None, :] + wc_rows[None, :, :]).reshape(_ROWS_PER_R, _HIDDEN)
    cc = cc + (wv_row + bias)[None, :]
    colb = col_table + bias[None, :]
    gamma2 = ln_gamma.reshape(1, _HIDDEN).astype(f32)
    beta2 = ln_beta.reshape(1, _HIDDEN).astype(f32)
    tbl = coord_color_table[:_NVALID].astype(f32)

    fused_v, fused_i = _build_fused_tables(tbl, row_table.astype(f32), cc, colb,
                                           gamma2, beta2)
    fused = jnp.concatenate([fused_v, fused_i], axis=0)

    r_ids = jnp.arange(h, dtype=jnp.int32)
    c_ids = jnp.arange(w, dtype=jnp.int32)
    cg_t = color_grid.astype(jnp.int32).transpose(1, 2, 0)
    vm_t = valid_mask.transpose(1, 2, 0)
    token = (r_ids[:, None, None] * (_MAX_COLS * _NUM_COLORS)
             + c_ids[None, :, None] * _NUM_COLORS
             + cg_t)
    inv = _NVALID + r_ids[:, None, None] * _MAX_COLS + c_ids[None, :, None]
    idx_t = jnp.where(vm_t, token, inv).astype(jnp.int32).reshape(-1)

    rows = _sc_gather(fused, idx_t)
    return rows.reshape(h * w, bsz, _HIDDEN).swapaxes(0, 1)

# --- scband reference (transcript-rebuilt; emitter-appended) ---
"""Pipeline reference for scband-arccoord-color-embedding-73761768341761 (READ-ONLY COPY).

The authoritative reference and input builder live on the scoring server;
editing this copy changes nothing except your own understanding.
"""

import jax, jax.numpy as jnp
import numpy as np

MAX_ROWS = 30
MAX_COLS = 30
NUM_COLORS = 10
HIDDEN = 512
PAD = 9000
VOCAB = MAX_ROWS * MAX_COLS * NUM_COLORS + 1
B = 1024
EPS = 1e-5


def setup_inputs(seed: int = 0) -> dict:
    key = jax.random.key(seed)
    ks = jax.random.split(key, 10)
    color_grid = jax.random.randint(ks[0], (B, MAX_ROWS, MAX_COLS), 0, NUM_COLORS, dtype=jnp.int32)
    valid_mask = jax.random.randint(ks[1], (B, MAX_ROWS, MAX_COLS), 0, 2, dtype=jnp.int32) > 0
    coord_color_table = jax.random.normal(ks[2], (VOCAB, HIDDEN), dtype=jnp.float32) * 0.02
    coord_color_table = coord_color_table.at[PAD].set(0.0)
    row_table = jax.random.normal(ks[3], (MAX_ROWS, HIDDEN), dtype=jnp.float32) * 0.02
    col_table = jax.random.normal(ks[4], (MAX_COLS, HIDDEN), dtype=jnp.float32) * 0.02
    W_color = jax.random.normal(ks[5], (HIDDEN, NUM_COLORS), dtype=jnp.float32) * 0.02
    b_color = jnp.zeros((HIDDEN,), dtype=jnp.float32)
    W_valid = jax.random.normal(ks[6], (HIDDEN, 1), dtype=jnp.float32) * 0.02
    b_valid = jnp.zeros((HIDDEN,), dtype=jnp.float32)
    ln_gamma = jnp.ones((HIDDEN,), dtype=jnp.float32)
    ln_beta = jnp.zeros((HIDDEN,), dtype=jnp.float32)
    return {
        "color_grid": color_grid,
        "valid_mask": valid_mask,
        "coord_color_table": coord_color_table,
        "row_table": row_table,
        "col_table": col_table,
        "W_color": W_color,
        "b_color": b_color,
        "W_valid": W_valid,
        "b_valid": b_valid,
        "ln_gamma": ln_gamma,
        "ln_beta": ln_beta,
    }


def reference(color_grid, valid_mask, coord_color_table, row_table, col_table,
              W_color, b_color, W_valid, b_valid, ln_gamma, ln_beta):
    Bsz, H, W = color_grid.shape
    row_ids = jnp.arange(H, dtype=color_grid.dtype)
    col_ids = jnp.arange(W, dtype=color_grid.dtype)
    token_ids = (row_ids[None, :, None] * (MAX_COLS * NUM_COLORS)
                 + col_ids[None, None, :] * NUM_COLORS
                 + color_grid)
    token_ids = jnp.where(valid_mask, token_ids, PAD)
    # padding_idx semantics: pad row is forced to zero
    table = coord_color_table.at[PAD].set(0.0)
    emb = jnp.take(table, token_ids, axis=0)
    color_oh = jax.nn.one_hot(jnp.clip(color_grid, 0, NUM_COLORS - 1), NUM_COLORS, dtype=jnp.float32)
    color_oh = color_oh * valid_mask[..., None].astype(jnp.float32)
    valid_float = valid_mask[..., None].astype(jnp.float32)
    x = (emb
         + row_table[None, :, None, :]
         + col_table[None, None, :, :]
         + color_oh @ W_color.T + b_color
         + valid_float @ W_valid.T + b_valid)
    mu = jnp.mean(x, axis=-1, keepdims=True)
    var = jnp.var(x, axis=-1, keepdims=True)
    x = (x - mu) / jnp.sqrt(var + EPS) * ln_gamma + ln_beta
    # dropout is identity in eval mode
    return x.reshape(Bsz, H * W, HIDDEN)

if __name__ == "__main__":
    import jax
    _d = setup_inputs()
    print(jax.jit(kernel)(*tuple(_d.values())))

</pallas_src>

<mosaic_0001>
#map = affine_map<(d0, d1) -> (0, 0)>
#map1 = affine_map<(d0, d1) -> (0)>
#map2 = affine_map<(d0, d1) -> (0, 0, 0)>
module attributes {stable_mosaic.version = 14 : i64} {
  func.func @k(%arg0: i32, %arg1: i32, %arg2: memref<9900x512xf32, #tpu.memory_space<hbm>>, %arg3: memref<921600xi32, #tpu.memory_space<hbm>>, %arg4: memref<32x450x64xi32, #tpu.memory_space<hbm>>, %arg5: memref<921600x512xf32, #tpu.memory_space<hbm>>, %arg6: memref<28800xi32, #tpu.memory_space<vmem>>, %arg7: memref<1x64xi32, #tpu.memory_space<vmem>>, %arg8: memref<1x64xi32, #tpu.memory_space<vmem>>, %arg9: memref<64x512xf32, #tpu.memory_space<vmem>>, %arg10: memref<64x512xf32, #tpu.memory_space<vmem>>, %arg11: memref<!tpu.dma_semaphore, #tpu.memory_space<semaphore_mem>>, %arg12: memref<!tpu.dma_semaphore, #tpu.memory_space<semaphore_mem>>, %arg13: memref<!tpu.dma_semaphore, #tpu.memory_space<semaphore_mem>>, %arg14: memref<!tpu.dma_semaphore, #tpu.memory_space<semaphore_mem>>) attributes {dimension_semantics = [#tpu.dimension_semantics<core_parallel>, #tpu.dimension_semantics<subcore_parallel>], iteration_bounds = array<i64: 2, 16>, scalar_prefetch = 0 : i64, scratch_operands = 9 : i64, tpu.core_type = #tpu.core_type<sc_vector_subcore>, window_params = [{transform_indices = #map}, {transform_indices = #map1}, {transform_indices = #map2}, {transform_indices = #map}]} {
    %mul3A = arith.constant 2 : i32
    %mul3A_0 = arith.muli %arg1, %mul3A : i32
    %add3A = arith.addi %mul3A_0, %arg0 : i32
    %mul3A_1 = arith.constant 28800 : i32
    %mul3A_2 = arith.muli %add3A, %mul3A_1 : i32
    "tpu.region"() ({
      %run_scoped3A = tpu.sem_alloc : memref<!tpu.dma_semaphore, #tpu.memory_space<semaphore_mem>>
      %dma_start3A_17 = tpu.memref_slice %arg3[%mul3A_2] : memref<921600xi32, #tpu.memory_space<hbm>> -> memref<28800xi32, #tpu.memory_space<hbm>>
      %dma_start3A_18 = tpu.memref_slice %arg3[%mul3A_2] : memref<921600xi32, #tpu.memory_space<hbm>> -> memref<28800xi32, #tpu.memory_space<hbm>>
      tpu.enqueue_dma source(%dma_start3A_18 : memref<28800xi32, #tpu.memory_space<hbm>>) target(%arg6 : memref<28800xi32, #tpu.memory_space<vmem>>) target_semaphore(%run_scoped3A : memref<!tpu.dma_semaphore, #tpu.memory_space<semaphore_mem>>)
      %dma_wait3A = tpu.memref_slice %arg3[%mul3A_2] : memref<921600xi32, #tpu.memory_space<hbm>> -> memref<28800xi32, #tpu.memory_space<hbm>>
      %dma_wait3A_19 = tpu.memref_slice %arg3[%mul3A_2] : memref<921600xi32, #tpu.memory_space<hbm>> -> memref<28800xi32, #tpu.memory_space<hbm>>
      tpu.wait_dma2 semaphore(%run_scoped3A : memref<!tpu.dma_semaphore, #tpu.memory_space<semaphore_mem>>) src(%dma_wait3A_19 : memref<28800xi32, #tpu.memory_space<hbm>>) dst(%arg6 : memref<28800xi32, #tpu.memory_space<vmem>>)
      tpu.yield
    }) : () -> ()
    %dma_start3A = arith.constant 0 : i32
    %dma_start3A_3 = tpu.memref_slice %arg6[%dma_start3A] : memref<28800xi32, #tpu.memory_space<vmem>> -> memref<64xi32, #tpu.memory_space<vmem>>
    %dma_start3A_4 = arith.constant 0 : i32
    %dma_start3A_5 = arith.constant 0 : i32
    %dma_start3A_6 = tpu.memref_slice %arg2[%dma_start3A_4, %dma_start3A_5] : memref<9900x512xf32, #tpu.memory_space<hbm>> -> memref<9900x512xf32, #tpu.memory_space<hbm>>
    tpu.enqueue_indirect_dma source(%dma_start3A_6 : memref<9900x512xf32, #tpu.memory_space<hbm>>) target(%arg9 : memref<64x512xf32, #tpu.memory_space<vmem>>) offsets(%dma_start3A_3 : memref<64xi32, #tpu.memory_space<vmem>>) semaphore(%arg11 : memref<!tpu.dma_semaphore, #tpu.memory_space<semaphore_mem>>)
    %dma_start3A_7 = arith.constant 64 : i32
    %dma_start3A_8 = tpu.memref_slice %arg6[%dma_start3A_7] : memref<28800xi32, #tpu.memory_space<vmem>> -> memref<64xi32, #tpu.memory_space<vmem>>
    %dma_start3A_9 = arith.constant 0 : i32
    %dma_start3A_10 = arith.constant 0 : i32
    %dma_start3A_11 = tpu.memref_slice %arg2[%dma_start3A_9, %dma_start3A_10] : memref<9900x512xf32, #tpu.memory_space<hbm>> -> memref<9900x512xf32, #tpu.memory_space<hbm>>
    tpu.enqueue_indirect_dma source(%dma_start3A_11 : memref<9900x512xf32, #tpu.memory_space<hbm>>) target(%arg10 : memref<64x512xf32, #tpu.memory_space<vmem>>) offsets(%dma_start3A_8 : memref<64xi32, #tpu.memory_space<vmem>>) semaphore(%arg12 : memref<!tpu.dma_semaphore, #tpu.memory_space<semaphore_mem>>)
    %scan3A = arith.constant 0 : i32
    %scan3A_12 = arith.constant 0 : i32
    %scan3A_13 = arith.constant 225 : i32
    %scan3A_14 = arith.addi %scan3A_12, %scan3A_13 : i32
    %scan3A_15 = arith.constant 1 : i32
    scf.for %scan3A_17 = %scan3A_12 to %scan3A_14 step %scan3A_15  : i32 {
      %mul3A_18 = arith.constant 2 : i32
      %mul3A_19 = arith.muli %scan3A_17, %mul3A_18 : i32
      %add3A_20 = arith.constant 0 : i32
      %add3A_21 = arith.addi %mul3A_19, %add3A_20 : i32
      %mul3A_22 = arith.constant 64 : i32
      %mul3A_23 = arith.muli %add3A_21, %mul3A_22 : i32
      %dma_wait3A = tpu.memref_slice %arg6[%mul3A_23] : memref<28800xi32, #tpu.memory_space<vmem>> -> memref<64xi32, #tpu.memory_space<vmem>>
      %dma_wait3A_24 = arith.constant 0 : i32
      %dma_wait3A_25 = arith.constant 0 : i32
      %dma_wait3A_26 = tpu.memref_slice %arg2[%dma_wait3A_24, %dma_wait3A_25] : memref<9900x512xf32, #tpu.memory_space<hbm>> -> memref<9900x512xf32, #tpu.memory_space<hbm>>
      tpu.wait_indirect_dma semaphore(%arg11 : memref<!tpu.dma_semaphore, #tpu.memory_space<semaphore_mem>>) src(%dma_wait3A_26 : memref<9900x512xf32, #tpu.memory_space<hbm>>) dst(%arg9 : memref<64x512xf32, #tpu.memory_space<vmem>>)
      %add3A_27 = arith.constant 0 : i32
      %add3A_28 = arith.addi %mul3A_19, %add3A_27 : i32
      "tpu.region"() ({
        %run_scoped3A = tpu.sem_alloc : memref<!tpu.dma_semaphore, #tpu.memory_space<semaphore_mem>>
        %dma_start3A_82 = arith.constant 0 : i32
        %dma_start3A_83 = tpu.memref_slice %arg4[%add3A, %add3A_28, %dma_start3A_82] : memref<32x450x64xi32, #tpu.memory_space<hbm>> -> memref<1x1x64xi32, #tpu.memory_space<hbm>>
        %dma_start3A_84 = tpu.memref_squeeze %dma_start3A_83 : memref<1x1x64xi32, #tpu.memory_space<hbm>> -> memref<1x64xi32, #tpu.memory_space<hbm>>
        %dma_start3A_85 = arith.constant 0 : i32
        %dma_start3A_86 = tpu.memref_slice %arg4[%add3A, %add3A_28, %dma_start3A_85] : memref<32x450x64xi32, #tpu.memory_space<hbm>> -> memref<1x1x64xi32, #tpu.memory_space<hbm>>
        %dma_start3A_87 = tpu.memref_squeeze %dma_start3A_86 : memref<1x1x64xi32, #tpu.memory_space<hbm>> -> memref<1x64xi32, #tpu.memory_space<hbm>>
        tpu.enqueue_dma source(%dma_start3A_87 : memref<1x64xi32, #tpu.memory_space<hbm>>) target(%arg7 : memref<1x64xi32, #tpu.memory_space<vmem>>) target_semaphore(%run_scoped3A : memref<!tpu.dma_semaphore, #tpu.memory_space<semaphore_mem>>)
        %dma_wait3A_88 = arith.constant 0 : i32
        %dma_wait3A_89 = tpu.memref_slice %arg4[%add3A, %add3A_28, %dma_wait3A_88] : memref<32x450x64xi32, #tpu.memory_space<hbm>> -> memref<1x1x64xi32, #tpu.memory_space<hbm>>
        %dma_wait3A_90 = tpu.memref_squeeze %dma_wait3A_89 : memref<1x1x64xi32, #tpu.memory_space<hbm>> -> memref<1x64xi32, #tpu.memory_space<hbm>>
        %dma_wait3A_91 = arith.constant 0 : i32
        %dma_wait3A_92 = tpu.memref_slice %arg4[%add3A, %add3A_28, %dma_wait3A_91] : memref<32x450x64xi32, #tpu.memory_space<hbm>> -> memref<1x1x64xi32, #tpu.memory_space<hbm>>
        %dma_wait3A_93 = tpu.memref_squeeze %dma_wait3A_92 : memref<1x1x64xi32, #tpu.memory_space<hbm>> -> memref<1x64xi32, #tpu.memory_space<hbm>>
        tpu.wait_dma2 semaphore(%run_scoped3A : memref<!tpu.dma_semaphore, #tpu.memory_space<semaphore_mem>>) src(%dma_wait3A_93 : memref<1x64xi32, #tpu.memory_space<hbm>>) dst(%arg7 : memref<1x64xi32, #tpu.memory_space<vmem>>)
        tpu.yield
      }) : () -> ()
      %dma_start3A_29 = arith.constant 0 : i32
      %dma_start3A_30 = arith.constant 0 : i32
      %dma_start3A_31 = tpu.memref_slice %arg7[%dma_start3A_29, %dma_start3A_30] : memref<1x64xi32, #tpu.memory_space<vmem>> -> memref<1x64xi32, #tpu.memory_space<vmem>>
      %dma_start3A_32 = tpu.memref_squeeze %dma_start3A_31 : memref<1x64xi32, #tpu.memory_space<vmem>> -> memref<64xi32, #tpu.memory_space<vmem>>
      %dma_start3A_33 = arith.constant 0 : i32
      %dma_start3A_34 = arith.constant 0 : i32
      %dma_start3A_35 = tpu.memref_slice %arg5[%dma_start3A_33, %dma_start3A_34] : memref<921600x512xf32, #tpu.memory_space<hbm>> -> memref<921600x512xf32, #tpu.memory_space<hbm>>
      tpu.enqueue_indirect_dma source(%arg9 : memref<64x512xf32, #tpu.memory_space<vmem>>) target(%dma_start3A_35 : memref<921600x512xf32, #tpu.memory_space<hbm>>) offsets(%dma_start3A_32 : memref<64xi32, #tpu.memory_space<vmem>>) semaphore(%arg13 : memref<!tpu.dma_semaphore, #tpu.memory_space<semaphore_mem>>)
      %add3A_36 = arith.constant 1 : i32
      %add3A_37 = arith.addi %mul3A_19, %add3A_36 : i32
      %mul3A_38 = arith.constant 64 : i32
      %mul3A_39 = arith.muli %add3A_37, %mul3A_38 : i32
      %dma_wait3A_40 = tpu.memref_slice %arg6[%mul3A_39] : memref<28800xi32, #tpu.memory_space<vmem>> -> memref<64xi32, #tpu.memory_space<vmem>>
      %dma_wait3A_41 = arith.constant 0 : i32
      %dma_wait3A_42 = arith.constant 0 : i32
      %dma_wait3A_43 = tpu.memref_slice %arg2[%dma_wait3A_41, %dma_wait3A_42] : memref<9900x512xf32, #tpu.memory_space<hbm>> -> memref<9900x512xf32, #tpu.memory_space<hbm>>
      tpu.wait_indirect_dma semaphore(%arg12 : memref<!tpu.dma_semaphore, #tpu.memory_space<semaphore_mem>>) src(%dma_wait3A_43 : memref<9900x512xf32, #tpu.memory_space<hbm>>) dst(%arg10 : memref<64x512xf32, #tpu.memory_space<vmem>>)
      %add3A_44 = arith.constant 1 : i32
      %add3A_45 = arith.addi %mul3A_19, %add3A_44 : i32
      "tpu.region"() ({
        %run_scoped3A = tpu.sem_alloc : memref<!tpu.dma_semaphore, #tpu.memory_space<semaphore_mem>>
        %dma_start3A_82 = arith.constant 0 : i32
        %dma_start3A_83 = tpu.memref_slice %arg4[%add3A, %add3A_45, %dma_start3A_82] : memref<32x450x64xi32, #tpu.memory_space<hbm>> -> memref<1x1x64xi32, #tpu.memory_space<hbm>>
        %dma_start3A_84 = tpu.memref_squeeze %dma_start3A_83 : memref<1x1x64xi32, #tpu.memory_space<hbm>> -> memref<1x64xi32, #tpu.memory_space<hbm>>
        %dma_start3A_85 = arith.constant 0 : i32
        %dma_start3A_86 = tpu.memref_slice %arg4[%add3A, %add3A_45, %dma_start3A_85] : memref<32x450x64xi32, #tpu.memory_space<hbm>> -> memref<1x1x64xi32, #tpu.memory_space<hbm>>
        %dma_start3A_87 = tpu.memref_squeeze %dma_start3A_86 : memref<1x1x64xi32, #tpu.memory_space<hbm>> -> memref<1x64xi32, #tpu.memory_space<hbm>>
        tpu.enqueue_dma source(%dma_start3A_87 : memref<1x64xi32, #tpu.memory_space<hbm>>) target(%arg8 : memref<1x64xi32, #tpu.memory_space<vmem>>) target_semaphore(%run_scoped3A : memref<!tpu.dma_semaphore, #tpu.memory_space<semaphore_mem>>)
        %dma_wait3A_88 = arith.constant 0 : i32
        %dma_wait3A_89 = tpu.memref_slice %arg4[%add3A, %add3A_45, %dma_wait3A_88] : memref<32x450x64xi32, #tpu.memory_space<hbm>> -> memref<1x1x64xi32, #tpu.memory_space<hbm>>
        %dma_wait3A_90 = tpu.memref_squeeze %dma_wait3A_89 : memref<1x1x64xi32, #tpu.memory_space<hbm>> -> memref<1x64xi32, #tpu.memory_space<hbm>>
        %dma_wait3A_91 = arith.constant 0 : i32
        %dma_wait3A_92 = tpu.memref_slice %arg4[%add3A, %add3A_45, %dma_wait3A_91] : memref<32x450x64xi32, #tpu.memory_space<hbm>> -> memref<1x1x64xi32, #tpu.memory_space<hbm>>
        %dma_wait3A_93 = tpu.memref_squeeze %dma_wait3A_92 : memref<1x1x64xi32, #tpu.memory_space<hbm>> -> memref<1x64xi32, #tpu.memory_space<hbm>>
        tpu.wait_dma2 semaphore(%run_scoped3A : memref<!tpu.dma_semaphore, #tpu.memory_space<semaphore_mem>>) src(%dma_wait3A_93 : memref<1x64xi32, #tpu.memory_space<hbm>>) dst(%arg8 : memref<1x64xi32, #tpu.memory_space<vmem>>)
        tpu.yield
      }) : () -> ()
      %dma_start3A_46 = arith.constant 0 : i32
      %dma_start3A_47 = arith.constant 0 : i32
      %dma_start3A_48 = tpu.memref_slice %arg8[%dma_start3A_46, %dma_start3A_47] : memref<1x64xi32, #tpu.memory_space<vmem>> -> memref<1x64xi32, #tpu.memory_space<vmem>>
      %dma_start3A_49 = tpu.memref_squeeze %dma_start3A_48 : memref<1x64xi32, #tpu.memory_space<vmem>> -> memref<64xi32, #tpu.memory_space<vmem>>
      %dma_start3A_50 = arith.constant 0 : i32
      %dma_start3A_51 = arith.constant 0 : i32
      %dma_start3A_52 = tpu.memref_slice %arg5[%dma_start3A_50, %dma_start3A_51] : memref<921600x512xf32, #tpu.memory_space<hbm>> -> memref<921600x512xf32, #tpu.memory_space<hbm>>
      tpu.enqueue_indirect_dma source(%arg10 : memref<64x512xf32, #tpu.memory_space<vmem>>) target(%dma_start3A_52 : memref<921600x512xf32, #tpu.memory_space<hbm>>) offsets(%dma_start3A_49 : memref<64xi32, #tpu.memory_space<vmem>>) semaphore(%arg14 : memref<!tpu.dma_semaphore, #tpu.memory_space<semaphore_mem>>)
      %dma_wait3A_53 = arith.constant 0 : i32
      %dma_wait3A_54 = arith.constant 0 : i32
      %dma_wait3A_55 = tpu.memref_slice %arg7[%dma_wait3A_53, %dma_wait3A_54] : memref<1x64xi32, #tpu.memory_space<vmem>> -> memref<1x64xi32, #tpu.memory_space<vmem>>
      %dma_wait3A_56 = tpu.memref_squeeze %dma_wait3A_55 : memref<1x64xi32, #tpu.memory_space<vmem>> -> memref<64xi32, #tpu.memory_space<vmem>>
      %dma_wait3A_57 = arith.constant 0 : i32
      %dma_wait3A_58 = arith.constant 0 : i32
      %dma_wait3A_59 = tpu.memref_slice %arg5[%dma_wait3A_57, %dma_wait3A_58] : memref<921600x512xf32, #tpu.memory_space<hbm>> -> memref<921600x512xf32, #tpu.memory_space<hbm>>
      tpu.wait_indirect_dma semaphore(%arg13 : memref<!tpu.dma_semaphore, #tpu.memory_space<semaphore_mem>>) src(%arg9 : memref<64x512xf32, #tpu.memory_space<vmem>>) dst(%dma_wait3A_59 : memref<921600x512xf32, #tpu.memory_space<hbm>>)
      %add3A_60 = arith.constant 2 : i32
      %add3A_61 = arith.addi %mul3A_19, %add3A_60 : i32
      %add3A_62 = arith.constant 0 : i32
      %add3A_63 = arith.addi %add3A_61, %add3A_62 : i32
      %lt3A = arith.constant 450 : i32
      %lt3A_64 = arith.cmpi slt, %add3A_63, %lt3A : i32
      %convert_element_type3A = arith.extui %lt3A_64 : i1 to i32
      %cond3A = arith.constant 0 : i32
      %cond3A_65 = arith.cmpi ne, %convert_element_type3A, %cond3A : i32
      scf.if %cond3A_65 {
        %add3A_82 = arith.constant 2 : i32
        %add3A_83 = arith.addi %mul3A_19, %add3A_82 : i32
        %add3A_84 = arith.constant 0 : i32
        %add3A_85 = arith.addi %add3A_83, %add3A_84 : i32
        %mul3A_86 = arith.constant 64 : i32
        %mul3A_87 = arith.muli %add3A_85, %mul3A_86 : i32
        %dma_start3A_88 = tpu.memref_slice %arg6[%mul3A_87] : memref<28800xi32, #tpu.memory_space<vmem>> -> memref<64xi32, #tpu.memory_space<vmem>>
        %dma_start3A_89 = arith.constant 0 : i32
        %dma_start3A_90 = arith.constant 0 : i32
        %dma_start3A_91 = tpu.memref_slice %arg2[%dma_start3A_89, %dma_start3A_90] : memref<9900x512xf32, #tpu.memory_space<hbm>> -> memref<9900x512xf32, #tpu.memory_space<hbm>>
        tpu.enqueue_indirect_dma source(%dma_start3A_91 : memref<9900x512xf32, #tpu.memory_space<hbm>>) target(%arg9 : memref<64x512xf32, #tpu.memory_space<vmem>>) offsets(%dma_start3A_88 : memref<64xi32, #tpu.memory_space<vmem>>) semaphore(%arg11 : memref<!tpu.dma_semaphore, #tpu.memory_space<semaphore_mem>>)
      } else {
      }
      %dma_wait3A_66 = arith.constant 0 : i32
      %dma_wait3A_67 = arith.constant 0 : i32
      %dma_wait3A_68 = tpu.memref_slice %arg8[%dma_wait3A_66, %dma_wait3A_67] : memref<1x64xi32, #tpu.memory_space<vmem>> -> memref<1x64xi32, #tpu.memory_space<vmem>>
      %dma_wait3A_69 = tpu.memref_squeeze %dma_wait3A_68 : memref<1x64xi32, #tpu.memory_space<vmem>> -> memref<64xi32, #tpu.memory_space<vmem>>
      %dma_wait3A_70 = arith.constant 0 : i32
      %dma_wait3A_71 = arith.constant 0 : i32
      %dma_wait3A_72 = tpu.memref_slice %arg5[%dma_wait3A_70, %dma_wait3A_71] : memref<921600x512xf32, #tpu.memory_space<hbm>> -> memref<921600x512xf32, #tpu.memory_space<hbm>>
      tpu.wait_indirect_dma semaphore(%arg14 : memref<!tpu.dma_semaphore, #tpu.memory_space<semaphore_mem>>) src(%arg10 : memref<64x512xf32, #tpu.memory_space<vmem>>) dst(%dma_wait3A_72 : memref<921600x512xf32, #tpu.memory_space<hbm>>)
      %add3A_73 = arith.constant 2 : i32
      %add3A_74 = arith.addi %mul3A_19, %add3A_73 : i32
      %add3A_75 = arith.constant 1 : i32
      %add3A_76 = arith.addi %add3A_74, %add3A_75 : i32
      %lt3A_77 = arith.constant 450 : i32
      %lt3A_78 = arith.cmpi slt, %add3A_76, %lt3A_77 : i32
      %convert_element_type3A_79 = arith.extui %lt3A_78 : i1 to i32
      %cond3A_80 = arith.constant 0 : i32
      %cond3A_81 = arith.cmpi ne, %convert_element_type3A_79, %cond3A_80 : i32
      scf.if %cond3A_81 {
        %add3A_82 = arith.constant 2 : i32
        %add3A_83 = arith.addi %mul3A_19, %add3A_82 : i32
        %add3A_84 = arith.constant 1 : i32
        %add3A_85 = arith.addi %add3A_83, %add3A_84 : i32
        %mul3A_86 = arith.constant 64 : i32
        %mul3A_87 = arith.muli %add3A_85, %mul3A_86 : i32
        %dma_start3A_88 = tpu.memref_slice %arg6[%mul3A_87] : memref<28800xi32, #tpu.memory_space<vmem>> -> memref<64xi32, #tpu.memory_space<vmem>>
        %dma_start3A_89 = arith.constant 0 : i32
        %dma_start3A_90 = arith.constant 0 : i32
        %dma_start3A_91 = tpu.memref_slice %arg2[%dma_start3A_89, %dma_start3A_90] : memref<9900x512xf32, #tpu.memory_space<hbm>> -> memref<9900x512xf32, #tpu.memory_space<hbm>>
        tpu.enqueue_indirect_dma source(%dma_start3A_91 : memref<9900x512xf32, #tpu.memory_space<hbm>>) target(%arg10 : memref<64x512xf32, #tpu.memory_space<vmem>>) offsets(%dma_start3A_88 : memref<64xi32, #tpu.memory_space<vmem>>) semaphore(%arg12 : memref<!tpu.dma_semaphore, #tpu.memory_space<semaphore_mem>>)
      } else {
      }
    }
    %scan3A_16 = arith.constant 225 : i32
    return
  }
}

module attributes {stable_mosaic.version = 14 : i64} {
  func.func @_build_tables_body(%arg0: i32, %arg1: memref<1x300x512xf32, #tpu.memory_space<vmem>>, %arg2: memref<1x1x512xf32, #tpu.memory_space<vmem>>, %arg3: memref<300x512xf32, #tpu.memory_space<vmem>>, %arg4: memref<30x512xf32, #tpu.memory_space<vmem>>, %arg5: memref<1x512xf32, #tpu.memory_space<vmem>>, %arg6: memref<1x512xf32, #tpu.memory_space<vmem>>, %arg7: memref<1x300x512xf32, #tpu.memory_space<vmem>>, %arg8: memref<1x30x512xf32, #tpu.memory_space<vmem>>) attributes {dimension_semantics = [#tpu.dimension_semantics<arbitrary>], iteration_bounds = array<i64: 30>, scalar_prefetch = 0 : i64, scratch_operands = 0 : i64, tpu.core_type = #tpu.core_type<tc>, window_params = [{transform_indices = @transform_0, window_bounds = array<i64: 1, 300, 512>}, {transform_indices = @transform_1, window_bounds = array<i64: 1, 1, 512>}, {pipeline_mode = #tpu.pipeline_mode<synchronous>, transform_indices = @transform_2, window_bounds = array<i64: 300, 512>}, {pipeline_mode = #tpu.pipeline_mode<synchronous>, transform_indices = @transform_3, window_bounds = array<i64: 30, 512>}, {pipeline_mode = #tpu.pipeline_mode<synchronous>, transform_indices = @transform_4, window_bounds = array<i64: 1, 512>}, {pipeline_mode = #tpu.pipeline_mode<synchronous>, transform_indices = @transform_5, window_bounds = array<i64: 1, 512>}, {transform_indices = @transform_6, window_bounds = array<i64: 1, 300, 512>}, {transform_indices = @transform_7, window_bounds = array<i64: 1, 30, 512>}]} {
    %get3A = arith.constant 0 : index
    %get3A_0 = arith.constant 0 : index
    %get3A_1 = vector.load %arg5[%get3A, %get3A_0] : memref<1x512xf32, #tpu.memory_space<vmem>>, vector<1x512xf32>
    %get3A_2 = arith.constant 0 : index
    %get3A_3 = arith.constant 0 : index
    %get3A_4 = vector.load %arg6[%get3A_2, %get3A_3] : memref<1x512xf32, #tpu.memory_space<vmem>>, vector<1x512xf32>
    %get3A_5 = arith.constant 0 : index
    %get3A_6 = arith.constant 0 : index
    %get3A_7 = arith.constant 0 : index
    %get3A_8 = vector.load %arg1[%get3A_5, %get3A_6, %get3A_7] : memref<1x300x512xf32, #tpu.memory_space<vmem>>, vector<1x300x512xf32>
    %get3A_9 = arith.constant 0 : index
    %get3A_10 = arith.constant 0 : index
    %get3A_11 = arith.constant 0 : index
    %get3A_12 = vector.load %arg2[%get3A_9, %get3A_10, %get3A_11] : memref<1x1x512xf32, #tpu.memory_space<vmem>>, vector<1x1x512xf32>
    %add3A = vector.broadcast %get3A_12 : vector<1x1x512xf32> to vector<1x300x512xf32>
    %add3A_13 = arith.addf %get3A_8, %add3A : vector<1x300x512xf32>
    %get3A_14 = arith.constant 0 : index
    %get3A_15 = arith.constant 0 : index
    %get3A_16 = vector.load %arg3[%get3A_14, %get3A_15] : memref<300x512xf32, #tpu.memory_space<vmem>>, vector<300x512xf32>
    %broadcast_in_dim3A = vector.shape_cast %get3A_16 : vector<300x512xf32> to vector<1x300x512xf32>
    %add3A_17 = arith.addf %add3A_13, %broadcast_in_dim3A : vector<1x300x512xf32>
    %reduce_sum3A = arith.constant dense<0.000000e+00> : vector<1x300xf32>
    %reduce_sum3A_18 = vector.multi_reduction <add>, %add3A_17, %reduce_sum3A [2] : vector<1x300x512xf32> to vector<1x300xf32>
    %broadcast_in_dim3A_19 = vector.shape_cast %reduce_sum3A_18 : vector<1x300xf32> to vector<1x300x1xf32>
    %div3A = arith.constant 5.120000e+02 : f32
    %div3A_20 = vector.broadcast %div3A : f32 to vector<1x300x1xf32>
    %div3A_21 = arith.divf %broadcast_in_dim3A_19, %div3A_20 : vector<1x300x1xf32>
    %sub3A = vector.broadcast %div3A_21 : vector<1x300x1xf32> to vector<1x300x512xf32>
    %sub3A_22 = arith.subf %add3A_17, %sub3A : vector<1x300x512xf32>
    %mul3A = arith.mulf %sub3A_22, %sub3A_22 : vector<1x300x512xf32>
    %reduce_sum3A_23 = arith.constant dense<0.000000e+00> : vector<1x300xf32>
    %reduce_sum3A_24 = vector.multi_reduction <add>, %mul3A, %reduce_sum3A_23 [2] : vector<1x300x512xf32> to vector<1x300xf32>
    %broadcast_in_dim3A_25 = vector.shape_cast %reduce_sum3A_24 : vector<1x300xf32> to vector<1x300x1xf32>
    %div3A_26 = arith.constant 5.120000e+02 : f32
    %div3A_27 = vector.broadcast %div3A_26 : f32 to vector<1x300x1xf32>
    %div3A_28 = arith.divf %broadcast_in_dim3A_25, %div3A_27 : vector<1x300x1xf32>
    %add3A_29 = arith.constant 9.99999974E-6 : f32
    %add3A_30 = vector.broadcast %add3A_29 : f32 to vector<1x300x1xf32>
    %add3A_31 = arith.addf %div3A_28, %add3A_30 : vector<1x300x1xf32>
    %rsqrt3A = math.rsqrt %add3A_31 : vector<1x300x1xf32>
    %mul3A_32 = vector.broadcast %rsqrt3A : vector<1x300x1xf32> to vector<1x300x512xf32>
    %mul3A_33 = arith.mulf %sub3A_22, %mul3A_32 : vector<1x300x512xf32>
    %broadcast_in_dim3A_34 = vector.shape_cast %get3A_1 : vector<1x512xf32> to vector<1x1x512xf32>
    %mul3A_35 = vector.broadcast %broadcast_in_dim3A_34 : vector<1x1x512xf32> to vector<1x300x512xf32>
    %mul3A_36 = arith.mulf %mul3A_33, %mul3A_35 : vector<1x300x512xf32>
    %broadcast_in_dim3A_37 = vector.shape_cast %get3A_4 : vector<1x512xf32> to vector<1x1x512xf32>
    %add3A_38 = vector.broadcast %broadcast_in_dim3A_37 : vector<1x1x512xf32> to vector<1x300x512xf32>
    %add3A_39 = arith.addf %mul3A_36, %add3A_38 : vector<1x300x512xf32>
    %swap3A = arith.constant 0 : index
    %swap3A_40 = arith.constant 0 : index
    %swap3A_41 = arith.constant 0 : index
    %swap3A_42 = vector.load %arg7[%swap3A, %swap3A_40, %swap3A_41] : memref<1x300x512xf32, #tpu.memory_space<vmem>>, vector<1x300x512xf32>
    tpu.vector_store %arg7[%swap3A, %swap3A_40, %swap3A_41], %add3A_39 {strides = array<i32>} : memref<1x300x512xf32, #tpu.memory_space<vmem>>, vector<1x300x512xf32>,
    %get3A_43 = arith.constant 0 : index
    %get3A_44 = arith.constant 0 : index
    %get3A_45 = arith.constant 0 : index
    %get3A_46 = vector.load %arg2[%get3A_43, %get3A_44, %get3A_45] : memref<1x1x512xf32, #tpu.memory_space<vmem>>, vector<1x1x512xf32>
    %get3A_47 = arith.constant 0 : index
    %get3A_48 = arith.constant 0 : index
    %get3A_49 = vector.load %arg4[%get3A_47, %get3A_48] : memref<30x512xf32, #tpu.memory_space<vmem>>, vector<30x512xf32>
    %broadcast_in_dim3A_50 = vector.shape_cast %get3A_49 : vector<30x512xf32> to vector<1x30x512xf32>
    %add3A_51 = vector.broadcast %get3A_46 : vector<1x1x512xf32> to vector<1x30x512xf32>
    %add3A_52 = arith.addf %add3A_51, %broadcast_in_dim3A_50 : vector<1x30x512xf32>
    %reduce_sum3A_53 = arith.constant dense<0.000000e+00> : vector<1x30xf32>
    %reduce_sum3A_54 = vector.multi_reduction <add>, %add3A_52, %reduce_sum3A_53 [2] : vector<1x30x512xf32> to vector<1x30xf32>
    %broadcast_in_dim3A_55 = vector.shape_cast %reduce_sum3A_54 : vector<1x30xf32> to vector<1x30x1xf32>
    %div3A_56 = arith.constant 5.120000e+02 : f32
    %div3A_57 = vector.broadcast %div3A_56 : f32 to vector<1x30x1xf32>
    %div3A_58 = arith.divf %broadcast_in_dim3A_55, %div3A_57 : vector<1x30x1xf32>
    %sub3A_59 = vector.broadcast %div3A_58 : vector<1x30x1xf32> to vector<1x30x512xf32>
    %sub3A_60 = arith.subf %add3A_52, %sub3A_59 : vector<1x30x512xf32>
    %mul3A_61 = arith.mulf %sub3A_60, %sub3A_60 : vector<1x30x512xf32>
    %reduce_sum3A_62 = arith.constant dense<0.000000e+00> : vector<1x30xf32>
    %reduce_sum3A_63 = vector.multi_reduction <add>, %mul3A_61, %reduce_sum3A_62 [2] : vector<1x30x512xf32> to vector<1x30xf32>
    %broadcast_in_dim3A_64 = vector.shape_cast %reduce_sum3A_63 : vector<1x30xf32> to vector<1x30x1xf32>
    %div3A_65 = arith.constant 5.120000e+02 : f32
    %div3A_66 = vector.broadcast %div3A_65 : f32 to vector<1x30x1xf32>
    %div3A_67 = arith.divf %broadcast_in_dim3A_64, %div3A_66 : vector<1x30x1xf32>
    %add3A_68 = arith.constant 9.99999974E-6 : f32
    %add3A_69 = vector.broadcast %add3A_68 : f32 to vector<1x30x1xf32>
    %add3A_70 = arith.addf %div3A_67, %add3A_69 : vector<1x30x1xf32>
    %rsqrt3A_71 = math.rsqrt %add3A_70 : vector<1x30x1xf32>
    %mul3A_72 = vector.broadcast %rsqrt3A_71 : vector<1x30x1xf32> to vector<1x30x512xf32>
    %mul3A_73 = arith.mulf %sub3A_60, %mul3A_72 : vector<1x30x512xf32>
    %broadcast_in_dim3A_74 = vector.shape_cast %get3A_1 : vector<1x512xf32> to vector<1x1x512xf32>
    %mul3A_75 = vector.broadcast %broadcast_in_dim3A_74 : vector<1x1x512xf32> to vector<1x30x512xf32>
    %mul3A_76 = arith.mulf %mul3A_73, %mul3A_75 : vector<1x30x512xf32>
    %broadcast_in_dim3A_77 = vector.shape_cast %get3A_4 : vector<1x512xf32> to vector<1x1x512xf32>
    %add3A_78 = vector.broadcast %broadcast_in_dim3A_77 : vector<1x1x512xf32> to vector<1x30x512xf32>
    %add3A_79 = arith.addf %mul3A_76, %add3A_78 : vector<1x30x512xf32>
    %swap3A_80 = arith.constant 0 : index
    %swap3A_81 = arith.constant 0 : index
    %swap3A_82 = arith.constant 0 : index
    %swap3A_83 = vector.load %arg8[%swap3A_80, %swap3A_81, %swap3A_82] : memref<1x30x512xf32, #tpu.memory_space<vmem>>, vector<1x30x512xf32>
    tpu.vector_store %arg8[%swap3A_80, %swap3A_81, %swap3A_82], %add3A_79 {strides = array<i32>} : memref<1x30x512xf32, #tpu.memory_space<vmem>>, vector<1x30x512xf32>,
    return
  }
  func.func @transform_0(%arg0: i32) -> (i32, i32, i32) {
    %c0_i32 = arith.constant 0 : i32
    %c0_i32_0 = arith.constant 0 : i32
    %c0_i32_1 = arith.constant 0 : i32
    return %arg0, %c0_i32, %c0_i32_0 : i32, i32, i32
  }
  func.func @transform_1(%arg0: i32) -> (i32, i32, i32) {
    %c0_i32 = arith.constant 0 : i32
    %c0_i32_0 = arith.constant 0 : i32
    %c0_i32_1 = arith.constant 0 : i32
    return %arg0, %c0_i32, %c0_i32_0 : i32, i32, i32
  }
  func.func @transform_2(%arg0: i32) -> (i32, i32) {
    %c0_i32 = arith.constant 0 : i32
    %c0_i32_0 = arith.constant 0 : i32
    %c0_i32_1 = arith.constant 0 : i32
    return %c0_i32, %c0_i32_0 : i32, i32
  }
  func.func @transform_3(%arg0: i32) -> (i32, i32) {
    %c0_i32 = arith.constant 0 : i32
    %c0_i32_0 = arith.constant 0 : i32
    %c0_i32_1 = arith.constant 0 : i32
    return %c0_i32, %c0_i32_0 : i32, i32
  }
  func.func @transform_4(%arg0: i32) -> (i32, i32) {
    %c0_i32 = arith.constant 0 : i32
    %c0_i32_0 = arith.constant 0 : i32
    %c0_i32_1 = arith.constant 0 : i32
    return %c0_i32, %c0_i32_0 : i32, i32
  }
  func.func @transform_5(%arg0: i32) -> (i32, i32) {
    %c0_i32 = arith.constant 0 : i32
    %c0_i32_0 = arith.constant 0 : i32
    %c0_i32_1 = arith.constant 0 : i32
    return %c0_i32, %c0_i32_0 : i32, i32
  }
  func.func @transform_6(%arg0: i32) -> (i32, i32, i32) {
    %c0_i32 = arith.constant 0 : i32
    %c0_i32_0 = arith.constant 0 : i32
    %c0_i32_1 = arith.constant 0 : i32
    return %arg0, %c0_i32, %c0_i32_0 : i32, i32, i32
  }
  func.func @transform_7(%arg0: i32) -> (i32, i32, i32) {
    %c0_i32 = arith.constant 0 : i32
    %c0_i32_0 = arith.constant 0 : i32
    %c0_i32_1 = arith.constant 0 : i32
    return %arg0, %c0_i32, %c0_i32_0 : i32, i32, i32
  }
}

</mosaic_0001>

<sc_bundles>
// kernel: kernel.4.cloned.1.call-start
scs
__scs_entry_jumppad:
0x0: {  	(pc) =	sbr.rel $0x88, $3  }
0x1: {  	(tag) =	ssettag $0x0;
	lr =	simm.s32 $0x1  }
0x2: {  	[smem:$0x3F96] =	sst lr;
	_ =	strace $0xD0000000  }
0x3: {  	_ = 	snop  }
0x4: {  	_ = 	snop  }
0x5: {  	_ = 	snop  }
0x6: {  	_ = 	snop  }
0x7: {  	_ = 	snop  }
__scs_overlays_trampoline_lowered:
0x8: {  	[smem:$0x3FA5] =	sst s0  }
0x9: {  	[smem:$0x3FA6] =	sst s1  }
0xa: {  	[smem:$0x3FA7] =	sst s2  }
0xb: {  	[smem:$0x3FA8] =	sst s3  }
0xc: {  	[smem:$0x3FA9] =	sst s4  }
0xd: {  	[smem:$0x3FAA] =	sst s5  }
0xe: {  	[smem:$0x3FAB] =	sst s6  }
0xf: {  	[smem:$0x3FAC] =	sst s7  }
0x10: {  	[smem:$0x3FAD] =	sst s8  }
0x11: {  	[smem:$0x3FAE] =	sst s9;
	s0 =	simm.s32 @!p0 $0x0  }
0x12: {  	s1 =	sld [smem:$0x3F94];
	s0 =	simm.s32 @p0 $0x1  }
0x13: {  	[smem:$0x3FAF] =	sst s0;
	s0 =	simm.s32 @!p1 $0x0  }
0x14: {  	s2 =	sld [smem:$0x3F93];
	s0 =	simm.s32 @p1 $0x1  }
0x15: {  	[smem:$0x3FB0] =	sst s0;
	s0 =	simm.s32 @!p2 $0x0  }
0x16: {  	s3 =	sld [smem:$0x3FDB];
	s0 =	simm.s32 @p2 $0x1  }
0x17: {  	s4 =	simm.s32 $0x1BF5;
	[smem:$0x3FB2] =	sst s0  }
0x18: {  	s0 =	sld [smem:$0x3F95];
	_ =	swait.ge [sflag:s4], $0x0  }
0x19: {  	s7 =	sld [smem:$0x3F96]  }
0x1a: {  	s8 =	sadd.s32 $0xFFFFE003, lr  }
0x1b: {  	s9 =	sadd.s32 $0xFFFFFEF7, lr;
	s5 =	simm.s32 $0xFFFFFFFF;
	p2 =	slt.u32 s8, $0xFFFFF086  }
0x1c: {  	p1 =	slt.u32 s9, $0xF7A;
	s5 =	simm.s32 @!p2 $0x0  }
0x1d: {  	s5 =	simm.s32 @p1 $0x1;
	p0 =	seq.s32 s7, s2  }
0x1e: {  	s7 =	smul.u32 @!p0 $0xF7A, s2;
	p2 =	seq.s32 @!p0 s5, $0x0  }
0x1f: {  	s9 =	smul.u32 $0xF7A, s1;
	s8 =	simm.s32 @!p0 $0x1BF5;
	p2 =	por !p2, p0  }
0x20: {  	[sflag:s8] =	ssyncset.s32 @!p0 $0xFFFFF086;
	s6 =	sadd.s32 @!p0 s3, s7;
	s7 =	simm.s32 @!p0 $0x108  }
0x21: {  	s3 =	sadd.s32 s3, s9;
	s6 =	sadd.s32 @!p0 $0x88, s6;
	s7 =	simm.s32 @p2 $0x1082  }
0x22: {  	[simem:s7], [sflag:s8] =	dma.local @!p0 [hbm:s6], $0xF7A  }
0x23: {  	s9 =	sor.u32 $0xD0000000, s2;
	s6 =	simm.s32 $0x108;
	_ =	swait.ge @!p0 [sflag:s8], $0x0  }
0x24: {  	s3 =	sadd.s32 $0x88, s3;
	s6 =	simm.s32 @!p1 $0x1082;
	[sflag:s4] =	ssyncset.s32 $0xFFFFF086  }
0x25: {  	[simem:s6], [sflag:s4] =	dma.local [hbm:s3], $0xF7A  }
0x26: {  	[smem:$0x3F96] =	sst s1;
	(tag) =	ssettag s2;
	_ =	strace s9  }
0x27: {  	s1 =	sld [smem:$0x3FA6]  }
0x28: {  	s2 =	sld [smem:$0x3FA7]  }
0x29: {  	s4 =	sld [smem:$0x3FA9]  }
0x2a: {  	p0 =	seq.s32 s5, $0x0;
	s5 =	sld [smem:$0x3FAA]  }
0x2b: {  	s6 =	sld [smem:$0x3FAB]  }
0x2c: {  	s7 =	sld [smem:$0x3FAC]  }
0x2d: {  	s3 =	simm.s32 $0x108;
	s8 =	sld [smem:$0x3FAD]  }
0x2e: {  	s3 =	simm.s32 @!p0 $0x1082;
	s9 =	sld [smem:$0x3FAE]  }
0x2f: {  	lr =	sadd.s32 s0, s3;
	s0 =	sld [smem:$0x3FA5]  }
0x30: {  	s3 =	sld [smem:$0x3FA8]  }
0x31: {  	[smem:$0x3FB1] =	sst s10  }
0x32: {  	s10 =	sld [smem:$0x3FAF];
	_ =	sdelay $0x3  }
0x33: {  	p0 =	seq.s32 s10, $0x1;
	s10 =	sld [smem:$0x3FB1];
	_ =	sdelay $0x3  }
0x34: {  	[smem:$0x3FB1] =	sst s10  }
0x35: {  	s10 =	sld [smem:$0x3FB0];
	_ =	sdelay $0x3  }
0x36: {  	p1 =	seq.s32 s10, $0x1;
	s10 =	sld [smem:$0x3FB1];
	_ =	sdelay $0x3  }
0x37: {  	[smem:$0x3FB1] =	sst s10  }
0x38: {  	s10 =	sld [smem:$0x3FB2]  }
0x39: {  	_ = 	snop;
	(pc) =	sbr.ind lr, $3  }
0x3a: {  	_ = 	snop  }
0x3b: {  	_ = 	snop  }
0x3c: {  	p2 =	seq.s32 s10, $0x1;
	s10 =	sld [smem:$0x3FB1]  }
0x3d: {  	_ =	shalt  }
0x3e: {  	_ =	shalt  }
0x3f: {  	_ =	shalt  }
0x40: {  	_ =	shalt  }
0x41: {  	_ =	shalt  }
0x42: {  	_ =	shalt  }
0x43: {  	_ =	shalt  }
0x44: {  	_ =	shalt  }
0x45: {  	_ =	shalt  }
0x46: {  	_ =	shalt  }
0x47: {  	_ =	shalt  }
0x48: {  	_ =	shalt  }
0x49: {  	_ =	shalt  }
0x4a: {  	_ =	shalt  }
0x4b: {  	_ =	shalt  }
0x4c: {  	_ =	shalt  }
0x4d: {  	_ =	shalt  }
0x4e: {  	_ =	shalt  }
0x4f: {  	_ =	shalt  }
0x50: {  	_ =	shalt  }
0x51: {  	_ =	shalt  }
0x52: {  	_ =	shalt  }
0x53: {  	_ =	shalt  }
0x54: {  	_ =	shalt  }
0x55: {  	_ =	shalt  }
0x56: {  	_ =	shalt  }
0x57: {  	_ =	shalt  }
0x58: {  	_ =	shalt  }
0x59: {  	_ =	shalt  }
0x5a: {  	_ =	shalt  }
0x5b: {  	_ =	shalt  }
0x5c: {  	_ =	shalt  }
0x5d: {  	_ =	shalt  }
0x5e: {  	_ =	shalt  }
0x5f: {  	_ =	shalt  }
0x60: {  	_ =	shalt  }
0x61: {  	_ =	shalt  }
0x62: {  	_ =	shalt  }
0x63: {  	_ =	shalt  }
0x64: {  	_ =	shalt  }
0x65: {  	_ =	shalt  }
0x66: {  	_ =	shalt  }
0x67: {  	_ =	shalt  }
0x68: {  	_ =	shalt  }
0x69: {  	_ =	shalt  }
0x6a: {  	_ =	shalt  }
0x6b: {  	_ =	shalt  }
0x6c: {  	_ =	shalt  }
0x6d: {  	_ =	shalt  }
0x6e: {  	_ =	shalt  }
0x6f: {  	_ =	shalt  }
0x70: {  	_ =	shalt  }
0x71: {  	_ =	shalt  }
0x72: {  	_ =	shalt  }
0x73: {  	_ =	shalt  }
0x74: {  	_ =	shalt  }
0x75: {  	_ =	shalt  }
0x76: {  	_ =	shalt  }
0x77: {  	_ =	shalt  }
0x78: {  	_ =	shalt  }
0x79: {  	_ =	shalt  }
0x7a: {  	_ =	shalt  }
0x7b: {  	_ =	shalt  }
0x7c: {  	_ =	shalt  }
0x7d: {  	_ =	shalt  }
0x7e: {  	_ =	shalt  }
0x7f: {  	_ =	shalt  }
0x80: {  	_ =	shalt  }
0x81: {  	_ =	shalt  }
0x82: {  	_ =	shalt  }
0x83: {  	_ =	shalt  }
0x84: {  	_ =	shalt  }
0x85: {  	_ =	shalt  }
0x86: {  	_ =	shalt  }
0x87: {  	_ =	shalt  }
.Lfunc_end0:
.L_simem_size_0:
called_computation_lowered:
.L_overlay_start_0:
0x88: {  	s2 =	sld [smem:$0x3FD9]  }
0x89: {  	s3 =	sld [smem:$0x3FFE];
	_ =	sdelay $0x1  }
0x8a: {  	s1 =	srdreg.scid  }
0x8b: {  	s0 =	sand.u32 $0x1, s1  }
0x8c: {  	s17 =	sshll.u32 s0, $0xA;
	s2 =	sadd.s32 s3, s2  }
0x8d: {  	s2 =	sadd.s32 s2, s17  }
0x8e: {  	[smem:$0x3FBD] =	sst s2  }
0x8f: {  	_ = 	snop  }
0x90: {  	s2 =	sld [smem:$0x3FD0];
	(tm) =	ssettm $0x1  }
0x91: {  	s18 =	sld [smem:$0x3FFB];
	_ =	sdelay $0x3  }
0x92: {  	_ =	strace s18  }
0x93: {  	s3 =	sld [smem:$0x3FFC];
	_ =	sdelay $0x3  }
0x94: {  	_ =	strace s3  }
0x95: {  	s3 =	sld [smem:$0x3FFD];
	_ =	sdelay $0x3  }
0x96: {  	_ =	strace s3  }
0x97: {  	_ =	strace $0x8FFFFFFF  }
0x98: {  	s19 =	sld [smem:$0x3FDB];
	_ =	sdelay $0x1  }
0x99: {  	s4 =	simm.s32 $_scs_section_size  }
0x9a: {  	s5 =	simm.s32 $_size__tile_overlayer_lowered;
	s6 =	simm.s32 $_tile_overlayer_lowered  }
0x9b: {  	s22 =	simm.s32 $0x1BFF;
	s21 =	sshll.u32 s6, $0x1;
	s3 =	sadd.s32 s4, s19  }
0x9c: {  	s7 =	simm.s32 $0x0;
	s20 =	sshll.u32 s5, $0x1;
	s5 =	sadd.s32 s21, s3  }
0x9d: {  	[timem:s7], [sflag:s22] =	dma.local [hbm:s5], s20  }
0x9e: {  	_ =	swait.ge [sflag:s22], s20  }
0x9f: {  	s4 =	ssub.s32 $0x0, s20;
	[sflag:s22] =	ssyncset.done $0x0  }
0xa0: {  	[sflag:s22] =	ssyncadd.s32 s4;
	_ =	sdelay $0x1  }
0xa1: {  	s23 =	simm.s32 $0x1B8B  }
0xa2: {  	_ =	swait.ge [sflag:s23], $0x1  }
0xa3: {  	[sflag:s23] =	ssyncset.done $0x0  }
0xa4: {  	s25 =	simm.s32 $0x1B8E;
	s24 =	sld [smem:$0x3FFE];
	[sflag:s23] =	ssyncadd.s32 $0xFFFFFFFF  }
0xa5: {  	s26 =	simm.s32 $execute0_lowered;
	[smem:$0x3FD2] =	sst s25  }
0xa6: {  	s5 =	sshll.u32 s26, $0x1;
	_ =	strace $0x80000046;
	[dreg:$0x1] =	wrdreg $0xFFFFFFFF  }
0xa7: {  	s28 =	simm.s32 $_size_execute0_lowered;
	s3 =	sadd.s32 s3, s5;
	[dreg:$0x0] =	wrdreg $0x0  }
0xa8: {  	s5 =	sshll.u32 s28, $0x1;
	[dreg:$0x2] =	wrdreg s3  }
0xa9: {  	[dreg:$0x3] =	wrdreg s5  }
0xaa: {  	[dreg:$0x4] =	wrdreg $0xC0  }
0xab: {  	_ =	task [dreg:s7], $0x5FFFF  }
0xac: {  	[dreg:$0x1] =	wrdreg $0xFFFFFFFF  }
0xad: {  	[dreg:$0x0] =	wrdreg $0x60  }
0xae: {  	[dreg:$0x2] =	wrdreg s24  }
0xaf: {  	[dreg:$0x3] =	wrdreg s2  }
0xb0: {  	[dreg:$0x4] =	wrdreg $0x9  }
0xb1: {  	_ =	task.clear_ibuf [dreg:s7], $0x5FFFF;
	_ =	strace $0x90000046  }
0xb2: {  	s29 =	simm.s32 $0x9;
	_ =	strace $0x80000048  }
0xb3: {  	_ =	swait.ge [sflag:s29], $0x1  }
0xb4: {  	[sflag:s29] =	ssyncadd.s32 $0xFFFFFFFF  }
0xb5: {  	_ =	strace $0x90000048  }
0xb6: {  	_ =	sfence  }
0xb7: {  	s30 =	sld [smem:$0x0];
	_ =	sdelay $0x2  }
0xb8: {  	s31 =	sshll.u32 s1, $0xD;
	s1 =	sshrl.u32 s1, $0x2  }
0xb9: {  	s3 =	sand.u32 $0x4000, s31;
	s1 =	sadd.s32 s1, s30  }
0xba: {  	s0 =	sor.u32 s3, s0;
	s1 =	sshll.u32 s1, $0x11  }
0xbb: {  	s0 =	sor.u32 s1, s0  }
0xbc: {  	s0 =	sadd.s32 $0x8F2B, s0  }
0xbd: {  	[sflag:s0] =	ssyncadd.remote.s32 $0x1  }
0xbe: {  	_ =	sfence.sel $0xFFFF  }
0xbf: {  	[dreg:$0x0] =	wrdreg $0xFFFFFFFF;
	(pc) =	sbr.abs _section_cstart, $3  }
0xc0: {  	[dreg:$0x1] =	wrdreg $0xFFFFFFFF  }
0xc1: {  	_ =	task.clear_ibuf [dreg:s7], $0x2FFFF;
	_ =	strace $0x9FFFFFFF  }
0xc2: {  	(tm) =	ssettm $0x7FFFFFFF  }
0xc3: {  	_ =	shalt  }
tec
execute0_lowered:
.L_overlay_start_1:
0x0: {  	(tag) =	ssettag $0x1  }
0x1: {  	s0 =	rddreg [dreg:$0x0];
	s1 =	srdreg.scid  }
0x2: {  	s3 =	stileid.u32;
	s2 =	rddreg [dreg:$0x1];
	s28 =	simm.s32 $0x8180  }
0x3: {  	s29 =	simm.s32 $0x8980;
	s30 =	simm.s32 $0x9180;
	s10 =	simm.s32 $0xB180  }
0x4: {  	s12 =	simm.s32 $0xC980;
	s13 =	simm.s32 $0xD180;
	s14 =	simm.s32 $0xD980  }
0x5: {  	s15 =	simm.s32 $0xE180;
	s16 =	simm.s32 $0xE980;
	s17 =	simm.s32 $0xF180  }
0x6: {  	s18 =	simm.s32 $0xF980;
	s19 =	simm.s32 $0x10180;
	s20 =	simm.s32 $0x10980  }
0x7: {  	s21 =	simm.s32 $0x11180;
	s22 =	simm.s32 $0x11980;
	s31 =	simm.s32 $0x12180  }
0x8: {  	s24 =	simm.s32 $0x13180;
	s11 =	simm.s32 $0x0;
	s1 =	sand.u32 $0x1, s1  }
0x9: {  	s4 =	sshll.u32 s3, $0x1;
	s3 =	simm.s32 $0x0;
	s8 =	sadd.s32 $0x2200, s0  }
0xa: {  	s9 =	sadd.s32 $0x100, s2;
	s5 =	sor.u32 s1, s4;
	[smem:$0x7FF] =	sst s3  }
0xb: {  	s1 =	ssub.s32 $0x2, s1;
	s4 =	sadd.s32 $0x57400, s0;
	s6 =	smul.u32 $0xE10, s5  }
0xc: {  	_ =	strace $0x80000047;
	s7 =	sshrl.u32 s1, $0x1;
	[dreg:$0x3] =	wrdreg s8  }
0xd: {  	s25 =	smul.u32 $0xE400, s5;
	s5 =	simm.s32 $0xB980;
	s8 =	simm.s32 $0xC180  }
.Ltmp0:
0xe: {  	[dreg:$0x7] =	wrdreg s11;
	s1 =	ssub.s32 s1, s7;
	(pc) =	sbr.rel .LBB2_1-.Ltmp0, $4  }
0xf: {  	s7 =	sadd.s32 $0x57500, s0;
	s6 =	sadd.s32 s6, s0;
	[dreg:$0x5] =	wrdreg s25  }
0x10: {  	v2 =	vlaneseq.u32;
	s26 =	smax.u32 s1, $0x1;
	s25 =	simm.s32 $0x7180;
	s1 =	simm.s32 $0x9980  }
0x11: {  	vm0 =	vmmov $0xffff;
	v1 =	vshrl.u32 v2, $0x3;
	s0 =	simm.s32 $0xA180;
	s6 =	sadd.s32 $0x3B200, s6;
	[dreg:$0x6] =	wrdreg s26  }
0x12: {  	v0 =	vand.u32 $0x7, v2;
	v2 =	vor.u32 $0x8, v2;
	v1 =	vmul.u32 $0x8, v1;
	s26 =	simm.s32 $0x7980;
	[dreg:$0x4] =	wrdreg s6;
	s6 =	simm.s32 $0xA980  }
.LBB2_4:
0x13: {  	s11 =	simm.s32 $0x4  }
0x14: {  	_ =	swait.ge [sflag:s11], $0x8000  }
0x15: {  	s24 =	rddreg [dreg:$0x7]  }
0x16: {  	s23 =	rddreg [dreg:$0x6];
	s24 =	sadd.s32 $0x1, s24  }
0x17: {  	p0 =	sne.s32 s24, s23  }
.Ltmp1:
0x18: {  	_ = 	snop;
	(pc) =	sbr.rel @!p0 .LBB2_5-.Ltmp1, $3  }
0x19: {  	_ =	sdelay $0x1  }
0x1a: {  	[sflag:s11] =	ssyncset.done $0x0  }
0x1b: {  	[sflag:s11] =	ssyncadd.s32 $0xFFFF8000;
	[dreg:$0x7] =	wrdreg s24;
	s24 =	simm.s32 $0x13180  }
.LBB2_1:
0x1c: {  	s23 =	rddreg [dreg:$0x4];
	s11 =	simm.s32 $0x5  }
0x1d: {  	[tilespmem:s3], [sflag:$0x5] =	stream.linear.gather [hbm4b:s23+s3], $0x7080, $0x38;
	[tilespmem:$0x17180] =	vst v63  }
0x1e: {  	_ =	swait.ge [sflag:s11], $0x7080  }
0x1f: {  	[sflag:s11] =	ssyncset.done $0x0  }
0x20: {  	[sflag:s11] =	ssyncadd.s32 $0xFFFF8F80  }
0x21: {  	v3 =	vld [tilespmem:$0x0];
	_ =	sdelay $0x4  }
0x22: {  	v4 =	vshll.u32 v3, $0x2  }
0x23: {  	v3 =	vand.u32 $0x7, v3;
	v4 =	vand.u32 $0xFFFFFFE0, v4  }
0x24: {  	v3 =	vor.u32 v3, v4  }
0x25: {  	v4 =	vperm.xlane v3, v0;
	_ =	sdelay $0x1  }
0x26: {  	v4 =	vadd.s32 v1, v4;
	_ =	sdelay $0x1  }
0x27: {  	v3 =	vperm.xlane v3, v2;
	_ =	sdelay $0x1  }
0x28: {  	v3 =	vadd.s32 v1, v3  }
0x29: {  	[tilespmem:s25], [sflag:$0x1] =	stream.indirect_vreg.gather [hbm4b:s4+s3], $0x80, v4, vm0, $0xb8;
	[tilespmem:$0x17180] =	vst v63  }
0x2a: {  	_ = 	snop  }
0x2b: {  	[tilespmem:s26], [sflag:$0x1] =	stream.indirect_vreg.gather [hbm4b:s7+s3], $0x80, v4, vm0, $0xb8;
	[tilespmem:$0x17180] =	vst v63  }
0x2c: {  	_ = 	snop  }
0x2d: {  	[tilespmem:s28], [sflag:$0x1] =	stream.indirect_vreg.gather [hbm4b:s4+s3], $0x80, v3, vm0, $0xb8;
	[tilespmem:$0x17180] =	vst v63  }
0x2e: {  	_ = 	snop  }
0x2f: {  	[tilespmem:s29], [sflag:$0x1] =	stream.indirect_vreg.gather [hbm4b:s7+s3], $0x80, v3, vm0, $0xb8;
	[tilespmem:$0x17180] =	vst v63  }
0x30: {  	v3 =	vld [tilespmem:$0x10];
	_ =	sdelay $0x4  }
0x31: {  	v57 =	vshll.u32 v3, $0x2  }
0x32: {  	v3 =	vand.u32 $0x7, v3;
	v4 =	vand.u32 $0xFFFFFFE0, v57  }
0x33: {  	v3 =	vor.u32 v3, v4  }
0x34: {  	v4 =	vperm.xlane v3, v0;
	_ =	sdelay $0x1  }
0x35: {  	v4 =	vadd.s32 v1, v4;
	_ =	sdelay $0x1  }
0x36: {  	v3 =	vperm.xlane v3, v2;
	_ =	sdelay $0x1  }
0x37: {  	v3 =	vadd.s32 v1, v3  }
0x38: {  	[tilespmem:s30], [sflag:$0x1] =	stream.indirect_vreg.gather [hbm4b:s4+s3], $0x80, v4, vm0, $0xb8;
	[tilespmem:$0x17180] =	vst v63  }
0x39: {  	_ = 	snop  }
0x3a: {  	[tilespmem:s1], [sflag:$0x1] =	stream.indirect_vreg.gather [hbm4b:s7+s3], $0x80, v4, vm0, $0xb8;
	[tilespmem:$0x17180] =	vst v63  }
0x3b: {  	_ = 	snop  }
0x3c: {  	[tilespmem:s0], [sflag:$0x1] =	stream.indirect_vreg.gather [hbm4b:s4+s3], $0x80, v3, vm0, $0xb8;
	[tilespmem:$0x17180] =	vst v63  }
0x3d: {  	_ = 	snop  }
0x3e: {  	[tilespmem:s6], [sflag:$0x1] =	stream.indirect_vreg.gather [hbm4b:s7+s3], $0x80, v3, vm0, $0xb8;
	[tilespmem:$0x17180] =	vst v63  }
0x3f: {  	v3 =	vld [tilespmem:$0x20];
	_ =	sdelay $0x4  }
0x40: {  	v58 =	vshll.u32 v3, $0x2  }
0x41: {  	v3 =	vand.u32 $0x7, v3;
	v4 =	vand.u32 $0xFFFFFFE0, v58  }
0x42: {  	v3 =	vor.u32 v3, v4  }
0x43: {  	v4 =	vperm.xlane v3, v0;
	_ =	sdelay $0x1  }
0x44: {  	v4 =	vadd.s32 v1, v4;
	_ =	sdelay $0x1  }
0x45: {  	v3 =	vperm.xlane v3, v2;
	_ =	sdelay $0x1  }
0x46: {  	v3 =	vadd.s32 v1, v3  }
0x47: {  	[tilespmem:s10], [sflag:$0x1] =	stream.indirect_vreg.gather [hbm4b:s4+s3], $0x80, v4, vm0, $0xb8;
	[tilespmem:$0x17180] =	vst v63  }
0x48: {  	_ = 	snop  }
0x49: {  	[tilespmem:s5], [sflag:$0x1] =	stream.indirect_vreg.gather [hbm4b:s7+s3], $0x80, v4, vm0, $0xb8;
	[tilespmem:$0x17180] =	vst v63  }
0x4a: {  	_ = 	snop  }
0x4b: {  	[tilespmem:s8], [sflag:$0x1] =	stream.indirect_vreg.gather [hbm4b:s4+s3], $0x80, v3, vm0, $0xb8;
	[tilespmem:$0x17180] =	vst v63  }
0x4c: {  	_ = 	snop  }
0x4d: {  	[tilespmem:s12], [sflag:$0x1] =	stream.indirect_vreg.gather [hbm4b:s7+s3], $0x80, v3, vm0, $0xb8;
	[tilespmem:$0x17180] =	vst v63  }
0x4e: {  	v3 =	vld [tilespmem:$0x30];
	_ =	sdelay $0x4  }
0x4f: {  	v59 =	vshll.u32 v3, $0x2  }
0x50: {  	v3 =	vand.u32 $0x7, v3;
	v4 =	vand.u32 $0xFFFFFFE0, v59  }
0x51: {  	v3 =	vor.u32 v3, v4  }
0x52: {  	v4 =	vperm.xlane v3, v0;
	_ =	sdelay $0x1  }
0x53: {  	v4 =	vadd.s32 v1, v4;
	_ =	sdelay $0x1  }
0x54: {  	v3 =	vperm.xlane v3, v2;
	_ =	sdelay $0x1  }
0x55: {  	v3 =	vadd.s32 v1, v3  }
0x56: {  	[tilespmem:s13], [sflag:$0x1] =	stream.indirect_vreg.gather [hbm4b:s4+s3], $0x80, v4, vm0, $0xb8;
	[tilespmem:$0x17180] =	vst v63  }
0x57: {  	_ = 	snop  }
0x58: {  	[tilespmem:s14], [sflag:$0x1] =	stream.indirect_vreg.gather [hbm4b:s7+s3], $0x80, v4, vm0, $0xb8;
	[tilespmem:$0x17180] =	vst v63  }
0x59: {  	_ = 	snop  }
0x5a: {  	[tilespmem:s15], [sflag:$0x1] =	stream.indirect_vreg.gather [hbm4b:s4+s3], $0x80, v3, vm0, $0xb8;
	[tilespmem:$0x17180] =	vst v63  }
0x5b: {  	_ = 	snop  }
0x5c: {  	[tilespmem:s16], [sflag:$0x1] =	stream.indirect_vreg.gather [hbm4b:s7+s3], $0x80, v3, vm0, $0xb8;
	[tilespmem:$0x17180] =	vst v63  }
0x5d: {  	v3 =	vld [tilespmem:$0x40];
	_ =	sdelay $0x4  }
0x5e: {  	v60 =	vshll.u32 v3, $0x2  }
0x5f: {  	v3 =	vand.u32 $0x7, v3;
	v4 =	vand.u32 $0xFFFFFFE0, v60  }
0x60: {  	v3 =	vor.u32 v3, v4  }
0x61: {  	v4 =	vperm.xlane v3, v0;
	_ =	sdelay $0x1  }
0x62: {  	v4 =	vadd.s32 v1, v4;
	_ =	sdelay $0x1  }
0x63: {  	v3 =	vperm.xlane v3, v2;
	_ =	sdelay $0x1  }
0x64: {  	v3 =	vadd.s32 v1, v3  }
0x65: {  	[tilespmem:s17], [sflag:$0x2] =	stream.indirect_vreg.gather [hbm4b:s4+s3], $0x80, v4, vm0, $0xb8;
	[tilespmem:$0x17180] =	vst v63  }
0x66: {  	_ = 	snop  }
0x67: {  	[tilespmem:s18], [sflag:$0x2] =	stream.indirect_vreg.gather [hbm4b:s7+s3], $0x80, v4, vm0, $0xb8;
	[tilespmem:$0x17180] =	vst v63  }
0x68: {  	_ = 	snop  }
0x69: {  	[tilespmem:s19], [sflag:$0x2] =	stream.indirect_vreg.gather [hbm4b:s4+s3], $0x80, v3, vm0, $0xb8;
	[tilespmem:$0x17180] =	vst v63  }
0x6a: {  	_ = 	snop  }
0x6b: {  	[tilespmem:s20], [sflag:$0x2] =	stream.indirect_vreg.gather [hbm4b:s7+s3], $0x80, v3, vm0, $0xb8;
	[tilespmem:$0x17180] =	vst v63  }
0x6c: {  	v3 =	vld [tilespmem:$0x50];
	_ =	sdelay $0x4  }
0x6d: {  	v61 =	vshll.u32 v3, $0x2  }
0x6e: {  	v3 =	vand.u32 $0x7, v3;
	v4 =	vand.u32 $0xFFFFFFE0, v61  }
0x6f: {  	v3 =	vor.u32 v3, v4  }
0x70: {  	v4 =	vperm.xlane v3, v0;
	_ =	sdelay $0x1  }
0x71: {  	v4 =	vadd.s32 v1, v4;
	_ =	sdelay $0x1  }
0x72: {  	v3 =	vperm.xlane v3, v2;
	_ =	sdelay $0x1  }
0x73: {  	v3 =	vadd.s32 v1, v3  }
0x74: {  	[tilespmem:s21], [sflag:$0x2] =	stream.indirect_vreg.gather [hbm4b:s4+s3], $0x80, v4, vm0, $0xb8;
	[tilespmem:$0x17180] =	vst v63  }
0x75: {  	_ = 	snop  }
0x76: {  	[tilespmem:s22], [sflag:$0x2] =	stream.indirect_vreg.gather [hbm4b:s7+s3], $0x80, v4, vm0, $0xb8;
	[tilespmem:$0x17180] =	vst v63  }
0x77: {  	_ = 	snop  }
0x78: {  	[tilespmem:s31], [sflag:$0x2] =	stream.indirect_vreg.gather [hbm4b:s4+s3], $0x80, v3, vm0, $0xb8;
	[tilespmem:$0x17180] =	vst v63  }
0x79: {  	s23 =	simm.s32 $0x12980  }
0x7a: {  	[tilespmem:s23], [sflag:$0x2] =	stream.indirect_vreg.gather [hbm4b:s7+s3], $0x80, v3, vm0, $0xb8;
	[tilespmem:$0x17180] =	vst v63  }
0x7b: {  	v3 =	vld [tilespmem:$0x60];
	_ =	sdelay $0x4  }
0x7c: {  	v62 =	vshll.u32 v3, $0x2  }
0x7d: {  	v3 =	vand.u32 $0x7, v3;
	v4 =	vand.u32 $0xFFFFFFE0, v62  }
0x7e: {  	v3 =	vor.u32 v3, v4  }
0x7f: {  	v4 =	vperm.xlane v3, v0;
	_ =	sdelay $0x1  }
0x80: {  	v4 =	vadd.s32 v1, v4;
	_ =	sdelay $0x1  }
0x81: {  	v3 =	vperm.xlane v3, v2;
	_ =	sdelay $0x1  }
0x82: {  	v3 =	vadd.s32 v1, v3  }
0x83: {  	[tilespmem:s24], [sflag:$0x2] =	stream.indirect_vreg.gather [hbm4b:s4+s3], $0x80, v4, vm0, $0xb8;
	[tilespmem:$0x17180] =	vst v63  }
0x84: {  	s20 =	simm.s32 $0x13980  }
0x85: {  	[tilespmem:s20], [sflag:$0x2] =	stream.indirect_vreg.gather [hbm4b:s7+s3], $0x80, v4, vm0, $0xb8;
	[tilespmem:$0x17180] =	vst v63  }
0x86: {  	s21 =	simm.s32 $0x14180  }
0x87: {  	[tilespmem:s21], [sflag:$0x2] =	stream.indirect_vreg.gather [hbm4b:s4+s3], $0x80, v3, vm0, $0xb8;
	[tilespmem:$0x17180] =	vst v63  }
0x88: {  	s22 =	simm.s32 $0x14980  }
0x89: {  	[tilespmem:s22], [sflag:$0x2] =	stream.indirect_vreg.gather [hbm4b:s7+s3], $0x80, v3, vm0, $0xb8;
	[tilespmem:$0x17180] =	vst v63  }
0x8a: {  	v3 =	vld [tilespmem:$0x70];
	_ =	sdelay $0x4  }
0x8b: {  	v63 =	vshll.u32 v3, $0x2  }
0x8c: {  	v3 =	vand.u32 $0x7, v3;
	v4 =	vand.u32 $0xFFFFFFE0, v63  }
0x8d: {  	v3 =	vor.u32 v3, v4  }
0x8e: {  	s11 =	simm.s32 $0x12180;
	v4 =	vperm.xlane v3, v0  }
0x8f: {  	s25 =	simm.s32 $0x16180;
	s26 =	simm.s32 $0x16980;
	s28 =	simm.s32 $0x7180  }
0x90: {  	s29 =	simm.s32 $0x7980;
	s30 =	simm.s32 $0x8180;
	s1 =	simm.s32 $0x9180;
	v4 =	vadd.s32 v1, v4  }
0x91: {  	s0 =	simm.s32 $0x9980;
	s6 =	simm.s32 $0xA180;
	s10 =	simm.s32 $0xA980  }
0x92: {  	s5 =	simm.s32 $0xB180;
	s8 =	simm.s32 $0xB980;
	s12 =	simm.s32 $0xC180;
	v3 =	vperm.xlane v3, v2  }
0x93: {  	s13 =	simm.s32 $0xC980;
	s14 =	simm.s32 $0xD180;
	s15 =	simm.s32 $0xD980  }
0x94: {  	s16 =	simm.s32 $0xE180;
	s17 =	simm.s32 $0xE980;
	s23 =	simm.s32 $0x15180;
	v3 =	vadd.s32 v1, v3  }
0x95: {  	[tilespmem:s23], [sflag:$0x2] =	stream.indirect_vreg.gather [hbm4b:s4+s3], $0x80, v4, vm0, $0xb8;
	[tilespmem:$0x17180] =	vst v63  }
0x96: {  	s18 =	simm.s32 $0xF180;
	s19 =	simm.s32 $0xF980;
	s24 =	simm.s32 $0x15980  }
0x97: {  	[tilespmem:s24], [sflag:$0x2] =	stream.indirect_vreg.gather [hbm4b:s7+s3], $0x80, v4, vm0, $0xb8;
	[tilespmem:$0x17180] =	vst v63  }
0x98: {  	s31 =	simm.s32 $0x8980;
	s20 =	simm.s32 $0x10180;
	s21 =	simm.s32 $0x10980  }
0x99: {  	[tilespmem:s25], [sflag:$0x2] =	stream.indirect_vreg.gather [hbm4b:s4+s3], $0x80, v3, vm0, $0xb8;
	[tilespmem:$0x17180] =	vst v63  }
0x9a: {  	s22 =	simm.s32 $0x11180;
	s23 =	simm.s32 $0xF0;
	s24 =	simm.s32 $0x0  }
0x9b: {  	[tilespmem:s26], [sflag:$0x2] =	stream.indirect_vreg.gather [hbm4b:s7+s3], $0x80, v3, vm0, $0xb8;
	[tilespmem:$0x17180] =	vst v63  }
.LBB2_2:
0x9c: {  	s25 =	sand.u32 $0xFC00, s24;
	s26 =	rddreg [dreg:$0x5]  }
0x9d: {  	s25 =	sadd.s32 s26, s25;
	s26 =	sand.u32 $0x300, s24  }
0x9e: {  	s25 =	sor.u32 s26, s25;
	s26 =	simm.s32 $0x1  }
0x9f: {  	_ =	swait.ge [sflag:s26], $0x8000  }
0xa0: {  	[sflag:s26] =	ssyncset.done $0x0  }
0xa1: {  	s25 =	sshrl.u32 s25, $0x3;
	[sflag:s26] =	ssyncadd.s32 $0xFFFF8000;
	s26 =	rddreg [dreg:$0x3]  }
0xa2: {  	s25 =	sadd.s32 s26, s25;
	s26 =	simm.s32 $0x7080  }
0xa3: {  	[tilespmem:s26], [sflag:$0x5] =	stream.linear.gather [hbm4b:s25+s3], $0x80, $0x38;
	[tilespmem:$0x17180] =	vst v63  }
0xa4: {  	s26 =	simm.s32 $0x5  }
0xa5: {  	_ =	swait.ge [sflag:s26], $0x80  }
0xa6: {  	[sflag:s26] =	ssyncset.done $0x0  }
0xa7: {  	[sflag:s26] =	ssyncadd.s32 $0xFFFFFF80  }
0xa8: {  	v3 =	vld [tilespmem:$0x7080];
	_ =	sdelay $0x4  }
0xa9: {  	v4 =	vshll.u32 v3, $0x2  }
0xaa: {  	v3 =	vand.u32 $0x7, v3;
	v4 =	vand.u32 $0xFFFFFFE0, v4  }
0xab: {  	v3 =	vor.u32 v3, v4  }
0xac: {  	v4 =	vperm.xlane v3, v0;
	_ =	sdelay $0x1  }
0xad: {  	v4 =	vadd.s32 v1, v4;
	_ =	sdelay $0x1  }
0xae: {  	v3 =	vperm.xlane v3, v2;
	_ =	sdelay $0x1  }
0xaf: {  	v3 =	vadd.s32 v1, v3  }
0xb0: {  	[hbm4b:s2+s3] =	stream.indirect_vreg.scatter [tilespmem:s28], [sflag:$0x3], $0x80, v4, vm0, $0xb8;
	[tilespmem:$0x17180] =	vst v63  }
0xb1: {  	_ = 	snop  }
0xb2: {  	[hbm4b:s9+s3] =	stream.indirect_vreg.scatter [tilespmem:s29], [sflag:$0x3], $0x80, v4, vm0, $0xb8;
	[tilespmem:$0x17180] =	vst v63  }
0xb3: {  	_ = 	snop  }
0xb4: {  	[hbm4b:s2+s3] =	stream.indirect_vreg.scatter [tilespmem:s30], [sflag:$0x3], $0x80, v3, vm0, $0xb8;
	[tilespmem:$0x17180] =	vst v63  }
0xb5: {  	_ = 	snop  }
0xb6: {  	[hbm4b:s9+s3] =	stream.indirect_vreg.scatter [tilespmem:s31], [sflag:$0x3], $0x80, v3, vm0, $0xb8;
	[tilespmem:$0x17180] =	vst v63  }
0xb7: {  	v3 =	vld [tilespmem:$0x7090];
	_ =	sdelay $0x4  }
0xb8: {  	v57 =	vshll.u32 v3, $0x2  }
0xb9: {  	v3 =	vand.u32 $0x7, v3;
	v4 =	vand.u32 $0xFFFFFFE0, v57  }
0xba: {  	v3 =	vor.u32 v3, v4  }
0xbb: {  	v4 =	vperm.xlane v3, v0;
	_ =	sdelay $0x1  }
0xbc: {  	v4 =	vadd.s32 v1, v4;
	_ =	sdelay $0x1  }
0xbd: {  	v3 =	vperm.xlane v3, v2;
	_ =	sdelay $0x1  }
0xbe: {  	v3 =	vadd.s32 v1, v3  }
0xbf: {  	[hbm4b:s2+s3] =	stream.indirect_vreg.scatter [tilespmem:s1], [sflag:$0x3], $0x80, v4, vm0, $0xb8;
	[tilespmem:$0x17180] =	vst v63  }
0xc0: {  	_ = 	snop  }
0xc1: {  	[hbm4b:s9+s3] =	stream.indirect_vreg.scatter [tilespmem:s0], [sflag:$0x3], $0x80, v4, vm0, $0xb8;
	[tilespmem:$0x17180] =	vst v63  }
0xc2: {  	_ = 	snop  }
0xc3: {  	[hbm4b:s2+s3] =	stream.indirect_vreg.scatter [tilespmem:s6], [sflag:$0x3], $0x80, v3, vm0, $0xb8;
	[tilespmem:$0x17180] =	vst v63  }
0xc4: {  	_ = 	snop  }
0xc5: {  	[hbm4b:s9+s3] =	stream.indirect_vreg.scatter [tilespmem:s10], [sflag:$0x3], $0x80, v3, vm0, $0xb8;
	[tilespmem:$0x17180] =	vst v63  }
0xc6: {  	v3 =	vld [tilespmem:$0x70A0];
	_ =	sdelay $0x4  }
0xc7: {  	v58 =	vshll.u32 v3, $0x2  }
0xc8: {  	v3 =	vand.u32 $0x7, v3;
	v4 =	vand.u32 $0xFFFFFFE0, v58  }
0xc9: {  	v3 =	vor.u32 v3, v4  }
0xca: {  	v4 =	vperm.xlane v3, v0;
	_ =	sdelay $0x1  }
0xcb: {  	v4 =	vadd.s32 v1, v4;
	_ =	sdelay $0x1  }
0xcc: {  	v3 =	vperm.xlane v3, v2;
	_ =	sdelay $0x1  }
0xcd: {  	v3 =	vadd.s32 v1, v3  }
0xce: {  	[hbm4b:s2+s3] =	stream.indirect_vreg.scatter [tilespmem:s5], [sflag:$0x3], $0x80, v4, vm0, $0xb8;
	[tilespmem:$0x17180] =	vst v63  }
0xcf: {  	_ = 	snop  }
0xd0: {  	[hbm4b:s9+s3] =	stream.indirect_vreg.scatter [tilespmem:s8], [sflag:$0x3], $0x80, v4, vm0, $0xb8;
	[tilespmem:$0x17180] =	vst v63  }
0xd1: {  	_ = 	snop  }
0xd2: {  	[hbm4b:s2+s3] =	stream.indirect_vreg.scatter [tilespmem:s12], [sflag:$0x3], $0x80, v3, vm0, $0xb8;
	[tilespmem:$0x17180] =	vst v63  }
0xd3: {  	_ = 	snop  }
0xd4: {  	[hbm4b:s9+s3] =	stream.indirect_vreg.scatter [tilespmem:s13], [sflag:$0x3], $0x80, v3, vm0, $0xb8;
	[tilespmem:$0x17180] =	vst v63  }
0xd5: {  	v3 =	vld [tilespmem:$0x70B0];
	_ =	sdelay $0x4  }
0xd6: {  	v59 =	vshll.u32 v3, $0x2  }
0xd7: {  	v3 =	vand.u32 $0x7, v3;
	v4 =	vand.u32 $0xFFFFFFE0, v59  }
0xd8: {  	v3 =	vor.u32 v3, v4  }
0xd9: {  	v4 =	vperm.xlane v3, v0;
	_ =	sdelay $0x1  }
0xda: {  	v4 =	vadd.s32 v1, v4;
	_ =	sdelay $0x1  }
0xdb: {  	v3 =	vperm.xlane v3, v2;
	_ =	sdelay $0x1  }
0xdc: {  	v3 =	vadd.s32 v1, v3  }
0xdd: {  	[hbm4b:s2+s3] =	stream.indirect_vreg.scatter [tilespmem:s14], [sflag:$0x3], $0x80, v4, vm0, $0xb8;
	[tilespmem:$0x17180] =	vst v63  }
0xde: {  	_ = 	snop  }
0xdf: {  	[hbm4b:s9+s3] =	stream.indirect_vreg.scatter [tilespmem:s15], [sflag:$0x3], $0x80, v4, vm0, $0xb8;
	[tilespmem:$0x17180] =	vst v63  }
0xe0: {  	_ = 	snop  }
0xe1: {  	[hbm4b:s2+s3] =	stream.indirect_vreg.scatter [tilespmem:s16], [sflag:$0x3], $0x80, v3, vm0, $0xb8;
	[tilespmem:$0x17180] =	vst v63  }
0xe2: {  	s12 =	simm.s32 $0x2  }
0xe3: {  	[hbm4b:s9+s3] =	stream.indirect_vreg.scatter [tilespmem:s17], [sflag:$0x3], $0x80, v3, vm0, $0xb8;
	[tilespmem:$0x17180] =	vst v63  }
0xe4: {  	_ =	swait.ge [sflag:s12], $0x8000  }
0xe5: {  	[sflag:s12] =	ssyncset.done $0x0  }
0xe6: {  	s25 =	sadd.s32 $0x10, s25;
	s13 =	simm.s32 $0x7100;
	[sflag:s12] =	ssyncadd.s32 $0xFFFF8000  }
0xe7: {  	[tilespmem:s13], [sflag:$0x5] =	stream.linear.gather [hbm4b:s25+s3], $0x80, $0x38;
	[tilespmem:$0x17180] =	vst v63  }
0xe8: {  	_ =	swait.ge [sflag:s26], $0x80  }
0xe9: {  	[sflag:s26] =	ssyncset.done $0x0  }
0xea: {  	[sflag:s26] =	ssyncadd.s32 $0xFFFFFF80  }
0xeb: {  	v3 =	vld [tilespmem:$0x7100];
	_ =	sdelay $0x4  }
0xec: {  	v60 =	vshll.u32 v3, $0x2  }
0xed: {  	v3 =	vand.u32 $0x7, v3;
	v4 =	vand.u32 $0xFFFFFFE0, v60  }
0xee: {  	v3 =	vor.u32 v3, v4  }
0xef: {  	v4 =	vperm.xlane v3, v0;
	_ =	sdelay $0x1  }
0xf0: {  	v4 =	vadd.s32 v1, v4;
	_ =	sdelay $0x1  }
0xf1: {  	v3 =	vperm.xlane v3, v2;
	_ =	sdelay $0x1  }
0xf2: {  	v3 =	vadd.s32 v1, v3  }
0xf3: {  	[hbm4b:s2+s3] =	stream.indirect_vreg.scatter [tilespmem:s18], [sflag:$0x4], $0x80, v4, vm0, $0xb8;
	[tilespmem:$0x17180] =	vst v63  }
0xf4: {  	_ = 	snop  }
0xf5: {  	[hbm4b:s9+s3] =	stream.indirect_vreg.scatter [tilespmem:s19], [sflag:$0x4], $0x80, v4, vm0, $0xb8;
	[tilespmem:$0x17180] =	vst v63  }
0xf6: {  	_ = 	snop  }
0xf7: {  	[hbm4b:s2+s3] =	stream.indirect_vreg.scatter [tilespmem:s20], [sflag:$0x4], $0x80, v3, vm0, $0xb8;
	[tilespmem:$0x17180] =	vst v63  }
0xf8: {  	_ = 	snop  }
0xf9: {  	[hbm4b:s9+s3] =	stream.indirect_vreg.scatter [tilespmem:s21], [sflag:$0x4], $0x80, v3, vm0, $0xb8;
	[tilespmem:$0x17180] =	vst v63  }
0xfa: {  	v3 =	vld [tilespmem:$0x7110];
	_ =	sdelay $0x4  }
0xfb: {  	v61 =	vshll.u32 v3, $0x2  }
0xfc: {  	v3 =	vand.u32 $0x7, v3;
	v4 =	vand.u32 $0xFFFFFFE0, v61  }
0xfd: {  	v3 =	vor.u32 v3, v4  }
0xfe: {  	v4 =	vperm.xlane v3, v0;
	_ =	sdelay $0x1  }
0xff: {  	v4 =	vadd.s32 v1, v4;
	_ =	sdelay $0x1  }
0x100: {  	v3 =	vperm.xlane v3, v2;
	_ =	sdelay $0x1  }
0x101: {  	v3 =	vadd.s32 v1, v3  }
0x102: {  	[hbm4b:s2+s3] =	stream.indirect_vreg.scatter [tilespmem:s22], [sflag:$0x4], $0x80, v4, vm0, $0xb8;
	[tilespmem:$0x17180] =	vst v63  }
0x103: {  	s14 =	simm.s32 $0x11980  }
0x104: {  	[hbm4b:s9+s3] =	stream.indirect_vreg.scatter [tilespmem:s14], [sflag:$0x4], $0x80, v4, vm0, $0xb8;
	[tilespmem:$0x17180] =	vst v63  }
0x105: {  	_ = 	snop  }
0x106: {  	[hbm4b:s2+s3] =	stream.indirect_vreg.scatter [tilespmem:s11], [sflag:$0x4], $0x80, v3, vm0, $0xb8;
	[tilespmem:$0x17180] =	vst v63  }
0x107: {  	s15 =	simm.s32 $0x12980  }
0x108: {  	[hbm4b:s9+s3] =	stream.indirect_vreg.scatter [tilespmem:s15], [sflag:$0x4], $0x80, v3, vm0, $0xb8;
	[tilespmem:$0x17180] =	vst v63  }
0x109: {  	v3 =	vld [tilespmem:$0x7120];
	_ =	sdelay $0x4  }
0x10a: {  	v62 =	vshll.u32 v3, $0x2  }
0x10b: {  	v3 =	vand.u32 $0x7, v3;
	v4 =	vand.u32 $0xFFFFFFE0, v62  }
0x10c: {  	v3 =	vor.u32 v3, v4  }
0x10d: {  	v4 =	vperm.xlane v3, v0;
	_ =	sdelay $0x1  }
0x10e: {  	v4 =	vadd.s32 v1, v4;
	_ =	sdelay $0x1  }
0x10f: {  	v3 =	vperm.xlane v3, v2;
	_ =	sdelay $0x1  }
0x110: {  	s16 =	simm.s32 $0x13180;
	v3 =	vadd.s32 v1, v3  }
0x111: {  	[hbm4b:s2+s3] =	stream.indirect_vreg.scatter [tilespmem:s16], [sflag:$0x4], $0x80, v4, vm0, $0xb8;
	[tilespmem:$0x17180] =	vst v63  }
0x112: {  	s17 =	simm.s32 $0x13980  }
0x113: {  	[hbm4b:s9+s3] =	stream.indirect_vreg.scatter [tilespmem:s17], [sflag:$0x4], $0x80, v4, vm0, $0xb8;
	[tilespmem:$0x17180] =	vst v63  }
0x114: {  	s18 =	simm.s32 $0x14180  }
0x115: {  	[hbm4b:s2+s3] =	stream.indirect_vreg.scatter [tilespmem:s18], [sflag:$0x4], $0x80, v3, vm0, $0xb8;
	[tilespmem:$0x17180] =	vst v63  }
0x116: {  	s19 =	simm.s32 $0x14980  }
0x117: {  	[hbm4b:s9+s3] =	stream.indirect_vreg.scatter [tilespmem:s19], [sflag:$0x4], $0x80, v3, vm0, $0xb8;
	[tilespmem:$0x17180] =	vst v63  }
0x118: {  	v3 =	vld [tilespmem:$0x7130];
	_ =	sdelay $0x4  }
0x119: {  	v63 =	vshll.u32 v3, $0x2  }
0x11a: {  	v3 =	vand.u32 $0x7, v3;
	v4 =	vand.u32 $0xFFFFFFE0, v63  }
0x11b: {  	v3 =	vor.u32 v3, v4  }
0x11c: {  	v4 =	vperm.xlane v3, v0  }
0x11d: {  	p0 =	seq.s32 s24, $0xE000  }
0x11e: {  	s28 =	simm.s32 $0x8180;
	s29 =	simm.s32 $0x8980;
	s30 =	simm.s32 $0x9180;
	v4 =	vadd.s32 v1, v4  }
0x11f: {  	s31 =	simm.s32 $0x12180;
	s1 =	simm.s32 $0x9980;
	s0 =	simm.s32 $0xA180  }
0x120: {  	s6 =	simm.s32 $0xA980;
	s10 =	simm.s32 $0xB180;
	s5 =	simm.s32 $0xB980;
	v3 =	vperm.xlane v3, v2  }
0x121: {  	s8 =	simm.s32 $0xC180;
	s12 =	simm.s32 $0xC980;
	s25 =	simm.s32 $0x16980  }
0x122: {  	s13 =	simm.s32 $0xD180;
	s26 =	simm.s32 $0x3;
	s20 =	simm.s32 $0x15180;
	v3 =	vadd.s32 v1, v3  }
0x123: {  	[hbm4b:s2+s3] =	stream.indirect_vreg.scatter [tilespmem:s20], [sflag:$0x4], $0x80, v4, vm0, $0xb8;
	[tilespmem:$0x17180] =	vst v63  }
0x124: {  	s21 =	simm.s32 $0x15980;
	s22 =	simm.s32 $0x16180;
	s14 =	simm.s32 $0xD980  }
0x125: {  	[hbm4b:s9+s3] =	stream.indirect_vreg.scatter [tilespmem:s21], [sflag:$0x4], $0x80, v4, vm0, $0xb8;
	[tilespmem:$0x17180] =	vst v63  }
0x126: {  	s11 =	simm.s32 $0x12980;
	s15 =	simm.s32 $0xE180;
	s16 =	simm.s32 $0xE980  }
0x127: {  	[hbm4b:s2+s3] =	stream.indirect_vreg.scatter [tilespmem:s22], [sflag:$0x4], $0x80, v3, vm0, $0xb8;
	[tilespmem:$0x17180] =	vst v63  }
.Ltmp2:
0x128: {  	s17 =	simm.s32 $0xF180;
	s18 =	simm.s32 $0xF980;
	(pc) =	sbr.rel @p0 .LBB2_4-.Ltmp2, $4  }
0x129: {  	[hbm4b:s9+s3] =	stream.indirect_vreg.scatter [tilespmem:s25], [sflag:$0x4], $0x80, v3, vm0, $0xb8;
	[tilespmem:$0x17180] =	vst v63  }
0x12a: {  	s19 =	simm.s32 $0x10180;
	s20 =	simm.s32 $0x10980;
	_ =	swait.ge [sflag:s26], $0x8000  }
0x12b: {  	s21 =	simm.s32 $0x11180;
	s22 =	simm.s32 $0x11980;
	[sflag:s26] =	ssyncset.done $0x0  }
0x12c: {  	s25 =	simm.s32 $0x7180;
	[sflag:s26] =	ssyncadd.s32 $0xFFFF8000;
	s26 =	simm.s32 $0x7980  }
0x12d: {  	v3 =	vld [tilespmem:s23+$0xFFFFFF90];
	_ =	sdelay $0x4  }
0x12e: {  	v4 =	vshll.u32 v3, $0x2  }
0x12f: {  	v3 =	vand.u32 $0x7, v3;
	v4 =	vand.u32 $0xFFFFFFE0, v4  }
0x130: {  	v3 =	vor.u32 v3, v4  }
0x131: {  	v4 =	vperm.xlane v3, v0;
	_ =	sdelay $0x1  }
0x132: {  	v4 =	vadd.s32 v1, v4;
	_ =	sdelay $0x1  }
0x133: {  	v3 =	vperm.xlane v3, v2;
	_ =	sdelay $0x1  }
0x134: {  	v3 =	vadd.s32 v1, v3  }
0x135: {  	[tilespmem:s25], [sflag:$0x1] =	stream.indirect_vreg.gather [hbm4b:s4+s3], $0x80, v4, vm0, $0xb8;
	[tilespmem:$0x17180] =	vst v63  }
0x136: {  	_ = 	snop  }
0x137: {  	[tilespmem:s26], [sflag:$0x1] =	stream.indirect_vreg.gather [hbm4b:s7+s3], $0x80, v4, vm0, $0xb8;
	[tilespmem:$0x17180] =	vst v63  }
0x138: {  	_ = 	snop  }
0x139: {  	[tilespmem:s28], [sflag:$0x1] =	stream.indirect_vreg.gather [hbm4b:s4+s3], $0x80, v3, vm0, $0xb8;
	[tilespmem:$0x17180] =	vst v63  }
0x13a: {  	_ = 	snop  }
0x13b: {  	[tilespmem:s29], [sflag:$0x1] =	stream.indirect_vreg.gather [hbm4b:s7+s3], $0x80, v3, vm0, $0xb8;
	[tilespmem:$0x17180] =	vst v63  }
0x13c: {  	v3 =	vld [tilespmem:s23+$0xFFFFFFA0];
	_ =	sdelay $0x4  }
0x13d: {  	v57 =	vshll.u32 v3, $0x2  }
0x13e: {  	v3 =	vand.u32 $0x7, v3;
	v4 =	vand.u32 $0xFFFFFFE0, v57  }
0x13f: {  	v3 =	vor.u32 v3, v4  }
0x140: {  	v4 =	vperm.xlane v3, v0;
	_ =	sdelay $0x1  }
0x141: {  	v4 =	vadd.s32 v1, v4;
	_ =	sdelay $0x1  }
0x142: {  	v3 =	vperm.xlane v3, v2;
	_ =	sdelay $0x1  }
0x143: {  	v3 =	vadd.s32 v1, v3  }
0x144: {  	[tilespmem:s30], [sflag:$0x1] =	stream.indirect_vreg.gather [hbm4b:s4+s3], $0x80, v4, vm0, $0xb8;
	[tilespmem:$0x17180] =	vst v63  }
0x145: {  	_ = 	snop  }
0x146: {  	[tilespmem:s1], [sflag:$0x1] =	stream.indirect_vreg.gather [hbm4b:s7+s3], $0x80, v4, vm0, $0xb8;
	[tilespmem:$0x17180] =	vst v63  }
0x147: {  	_ = 	snop  }
0x148: {  	[tilespmem:s0], [sflag:$0x1] =	stream.indirect_vreg.gather [hbm4b:s4+s3], $0x80, v3, vm0, $0xb8;
	[tilespmem:$0x17180] =	vst v63  }
0x149: {  	_ = 	snop  }
0x14a: {  	[tilespmem:s6], [sflag:$0x1] =	stream.indirect_vreg.gather [hbm4b:s7+s3], $0x80, v3, vm0, $0xb8;
	[tilespmem:$0x17180] =	vst v63  }
0x14b: {  	v3 =	vld [tilespmem:s23+$0xFFFFFFB0];
	_ =	sdelay $0x4  }
0x14c: {  	v58 =	vshll.u32 v3, $0x2  }
0x14d: {  	v3 =	vand.u32 $0x7, v3;
	v4 =	vand.u32 $0xFFFFFFE0, v58  }
0x14e: {  	v3 =	vor.u32 v3, v4  }
0x14f: {  	v4 =	vperm.xlane v3, v0;
	_ =	sdelay $0x1  }
0x150: {  	v4 =	vadd.s32 v1, v4;
	_ =	sdelay $0x1  }
0x151: {  	v3 =	vperm.xlane v3, v2;
	_ =	sdelay $0x1  }
0x152: {  	v3 =	vadd.s32 v1, v3  }
0x153: {  	[tilespmem:s10], [sflag:$0x1] =	stream.indirect_vreg.gather [hbm4b:s4+s3], $0x80, v4, vm0, $0xb8;
	[tilespmem:$0x17180] =	vst v63  }
0x154: {  	_ = 	snop  }
0x155: {  	[tilespmem:s5], [sflag:$0x1] =	stream.indirect_vreg.gather [hbm4b:s7+s3], $0x80, v4, vm0, $0xb8;
	[tilespmem:$0x17180] =	vst v63  }
0x156: {  	_ = 	snop  }
0x157: {  	[tilespmem:s8], [sflag:$0x1] =	stream.indirect_vreg.gather [hbm4b:s4+s3], $0x80, v3, vm0, $0xb8;
	[tilespmem:$0x17180] =	vst v63  }
0x158: {  	_ = 	snop  }
0x159: {  	[tilespmem:s12], [sflag:$0x1] =	stream.indirect_vreg.gather [hbm4b:s7+s3], $0x80, v3, vm0, $0xb8;
	[tilespmem:$0x17180] =	vst v63  }
0x15a: {  	v3 =	vld [tilespmem:s23+$0xFFFFFFC0];
	_ =	sdelay $0x4  }
0x15b: {  	v59 =	vshll.u32 v3, $0x2  }
0x15c: {  	v3 =	vand.u32 $0x7, v3;
	v4 =	vand.u32 $0xFFFFFFE0, v59  }
0x15d: {  	v3 =	vor.u32 v3, v4  }
0x15e: {  	v4 =	vperm.xlane v3, v0;
	_ =	sdelay $0x1  }
0x15f: {  	v4 =	vadd.s32 v1, v4;
	_ =	sdelay $0x1  }
0x160: {  	v3 =	vperm.xlane v3, v2;
	_ =	sdelay $0x1  }
0x161: {  	v3 =	vadd.s32 v1, v3  }
0x162: {  	[tilespmem:s13], [sflag:$0x1] =	stream.indirect_vreg.gather [hbm4b:s4+s3], $0x80, v4, vm0, $0xb8;
	[tilespmem:$0x17180] =	vst v63  }
0x163: {  	_ = 	snop  }
0x164: {  	[tilespmem:s14], [sflag:$0x1] =	stream.indirect_vreg.gather [hbm4b:s7+s3], $0x80, v4, vm0, $0xb8;
	[tilespmem:$0x17180] =	vst v63  }
0x165: {  	_ = 	snop  }
0x166: {  	[tilespmem:s15], [sflag:$0x1] =	stream.indirect_vreg.gather [hbm4b:s4+s3], $0x80, v3, vm0, $0xb8;
	[tilespmem:$0x17180] =	vst v63  }
0x167: {  	_ = 	snop  }
0x168: {  	[tilespmem:s16], [sflag:$0x1] =	stream.indirect_vreg.gather [hbm4b:s7+s3], $0x80, v3, vm0, $0xb8;
	[tilespmem:$0x17180] =	vst v63  }
0x169: {  	s16 =	simm.s32 $0x4  }
0x16a: {  	_ =	swait.ge [sflag:s16], $0x8000  }
0x16b: {  	[sflag:s16] =	ssyncset.done $0x0  }
0x16c: {  	[sflag:s16] =	ssyncadd.s32 $0xFFFF8000  }
0x16d: {  	v3 =	vld [tilespmem:s23+$0xFFFFFFD0];
	_ =	sdelay $0x4  }
0x16e: {  	v60 =	vshll.u32 v3, $0x2  }
0x16f: {  	v3 =	vand.u32 $0x7, v3;
	v4 =	vand.u32 $0xFFFFFFE0, v60  }
0x170: {  	v3 =	vor.u32 v3, v4  }
0x171: {  	v4 =	vperm.xlane v3, v0;
	_ =	sdelay $0x1  }
0x172: {  	v4 =	vadd.s32 v1, v4;
	_ =	sdelay $0x1  }
0x173: {  	v3 =	vperm.xlane v3, v2;
	_ =	sdelay $0x1  }
0x174: {  	v3 =	vadd.s32 v1, v3  }
0x175: {  	[tilespmem:s17], [sflag:$0x2] =	stream.indirect_vreg.gather [hbm4b:s4+s3], $0x80, v4, vm0, $0xb8;
	[tilespmem:$0x17180] =	vst v63  }
0x176: {  	_ = 	snop  }
0x177: {  	[tilespmem:s18], [sflag:$0x2] =	stream.indirect_vreg.gather [hbm4b:s7+s3], $0x80, v4, vm0, $0xb8;
	[tilespmem:$0x17180] =	vst v63  }
0x178: {  	_ = 	snop  }
0x179: {  	[tilespmem:s19], [sflag:$0x2] =	stream.indirect_vreg.gather [hbm4b:s4+s3], $0x80, v3, vm0, $0xb8;
	[tilespmem:$0x17180] =	vst v63  }
0x17a: {  	_ = 	snop  }
0x17b: {  	[tilespmem:s20], [sflag:$0x2] =	stream.indirect_vreg.gather [hbm4b:s7+s3], $0x80, v3, vm0, $0xb8;
	[tilespmem:$0x17180] =	vst v63  }
0x17c: {  	v3 =	vld [tilespmem:s23+$0xFFFFFFE0];
	_ =	sdelay $0x4  }
0x17d: {  	v61 =	vshll.u32 v3, $0x2  }
0x17e: {  	v3 =	vand.u32 $0x7, v3;
	v4 =	vand.u32 $0xFFFFFFE0, v61  }
0x17f: {  	v3 =	vor.u32 v3, v4  }
0x180: {  	v4 =	vperm.xlane v3, v0;
	_ =	sdelay $0x1  }
0x181: {  	v4 =	vadd.s32 v1, v4;
	_ =	sdelay $0x1  }
0x182: {  	v3 =	vperm.xlane v3, v2;
	_ =	sdelay $0x1  }
0x183: {  	v3 =	vadd.s32 v1, v3  }
0x184: {  	[tilespmem:s21], [sflag:$0x2] =	stream.indirect_vreg.gather [hbm4b:s4+s3], $0x80, v4, vm0, $0xb8;
	[tilespmem:$0x17180] =	vst v63  }
0x185: {  	_ = 	snop  }
0x186: {  	[tilespmem:s22], [sflag:$0x2] =	stream.indirect_vreg.gather [hbm4b:s7+s3], $0x80, v4, vm0, $0xb8;
	[tilespmem:$0x17180] =	vst v63  }
0x187: {  	_ = 	snop  }
0x188: {  	[tilespmem:s31], [sflag:$0x2] =	stream.indirect_vreg.gather [hbm4b:s4+s3], $0x80, v3, vm0, $0xb8;
	[tilespmem:$0x17180] =	vst v63  }
0x189: {  	_ = 	snop  }
0x18a: {  	[tilespmem:s11], [sflag:$0x2] =	stream.indirect_vreg.gather [hbm4b:s7+s3], $0x80, v3, vm0, $0xb8;
	[tilespmem:$0x17180] =	vst v63  }
0x18b: {  	v3 =	vld [tilespmem:s23+$0xFFFFFFF0];
	_ =	sdelay $0x4  }
0x18c: {  	v62 =	vshll.u32 v3, $0x2  }
0x18d: {  	v3 =	vand.u32 $0x7, v3;
	v4 =	vand.u32 $0xFFFFFFE0, v62  }
0x18e: {  	v3 =	vor.u32 v3, v4  }
0x18f: {  	v4 =	vperm.xlane v3, v0;
	_ =	sdelay $0x1  }
0x190: {  	v4 =	vadd.s32 v1, v4;
	_ =	sdelay $0x1  }
0x191: {  	v3 =	vperm.xlane v3, v2;
	_ =	sdelay $0x1  }
0x192: {  	s17 =	simm.s32 $0x13180;
	v3 =	vadd.s32 v1, v3  }
0x193: {  	[tilespmem:s17], [sflag:$0x2] =	stream.indirect_vreg.gather [hbm4b:s4+s3], $0x80, v4, vm0, $0xb8;
	[tilespmem:$0x17180] =	vst v63  }
0x194: {  	s18 =	simm.s32 $0x13980  }
0x195: {  	[tilespmem:s18], [sflag:$0x2] =	stream.indirect_vreg.gather [hbm4b:s7+s3], $0x80, v4, vm0, $0xb8;
	[tilespmem:$0x17180] =	vst v63  }
0x196: {  	s19 =	simm.s32 $0x14180  }
0x197: {  	[tilespmem:s19], [sflag:$0x2] =	stream.indirect_vreg.gather [hbm4b:s4+s3], $0x80, v3, vm0, $0xb8;
	[tilespmem:$0x17180] =	vst v63  }
0x198: {  	s20 =	simm.s32 $0x14980  }
0x199: {  	[tilespmem:s20], [sflag:$0x2] =	stream.indirect_vreg.gather [hbm4b:s7+s3], $0x80, v3, vm0, $0xb8;
	[tilespmem:$0x17180] =	vst v63  }
0x19a: {  	v3 =	vld [tilespmem:s23+$0x0];
	_ =	sdelay $0x4  }
0x19b: {  	v63 =	vshll.u32 v3, $0x2  }
0x19c: {  	v3 =	vand.u32 $0x7, v3;
	v4 =	vand.u32 $0xFFFFFFE0, v63  }
0x19d: {  	v3 =	vor.u32 v3, v4  }
0x19e: {  	v4 =	vperm.xlane v3, v0  }
0x19f: {  	s24 =	sadd.s32 $0x100, s24;
	s25 =	simm.s32 $0x16180  }
0x1a0: {  	s26 =	simm.s32 $0x16980;
	s28 =	simm.s32 $0x7180;
	s29 =	simm.s32 $0x7980;
	v4 =	vadd.s32 v1, v4  }
0x1a1: {  	s30 =	simm.s32 $0x8180;
	s1 =	simm.s32 $0x9180;
	s0 =	simm.s32 $0x9980  }
0x1a2: {  	s6 =	simm.s32 $0xA180;
	s10 =	simm.s32 $0xA980;
	s5 =	simm.s32 $0xB180  }
0x1a3: {  	s8 =	simm.s32 $0xB980;
	s12 =	simm.s32 $0xC180;
	s13 =	simm.s32 $0xC980;
	v3 =	vperm.xlane v3, v2  }
0x1a4: {  	s14 =	simm.s32 $0xD180;
	s15 =	simm.s32 $0xD980;
	s21 =	simm.s32 $0x15180  }
0x1a5: {  	v3 =	vadd.s32 v1, v3;
	[tilespmem:s21], [sflag:$0x2] =	stream.indirect_vreg.gather [hbm4b:s4+s3], $0x80, v4, vm0, $0xb8;
	[tilespmem:$0x17180] =	vst v63  }
0x1a6: {  	s16 =	simm.s32 $0xE180;
	s22 =	simm.s32 $0x15980;
	s31 =	simm.s32 $0x8980  }
0x1a7: {  	[tilespmem:s22], [sflag:$0x2] =	stream.indirect_vreg.gather [hbm4b:s7+s3], $0x80, v4, vm0, $0xb8;
	[tilespmem:$0x17180] =	vst v63  }
.Ltmp3:
0x1a8: {  	s11 =	simm.s32 $0x12180;
	s17 =	simm.s32 $0xE980;
	(pc) =	sbr.rel .LBB2_2-.Ltmp3, $4  }
0x1a9: {  	s18 =	simm.s32 $0xF180;
	s19 =	simm.s32 $0xF980;
	s20 =	simm.s32 $0x10180  }
0x1aa: {  	[tilespmem:s25], [sflag:$0x2] =	stream.indirect_vreg.gather [hbm4b:s4+s3], $0x80, v3, vm0, $0xb8;
	[tilespmem:$0x17180] =	vst v63  }
0x1ab: {  	s23 =	sadd.s32 $0x80, s23;
	s21 =	simm.s32 $0x10980;
	s22 =	simm.s32 $0x11180  }
0x1ac: {  	[tilespmem:s26], [sflag:$0x2] =	stream.indirect_vreg.gather [hbm4b:s7+s3], $0x80, v3, vm0, $0xb8;
	[tilespmem:$0x17180] =	vst v63  }
.LBB2_5:
0x1ad: {  	_ =	sfence.sel $0x180000  }
0x1ae: {  	[bflag:$0x0] =	sbarrier.arrive $0xFFFF  }
0x1af: {  	_ =	strace $0x90000047  }
0x1b0: {  	s0 =	stileid.u32;
	[bflag:$0x2] =	sbarrier.arrive $0xFFFF  }
0x1b1: {  	p0 =	sne.s32 s0, $0x0;
	s0 =	rddreg [dreg:$0x2]  }
0x1b2: {  	s0 =	sadd.s32 @!p0 $0x100000, s0  }
0x1b3: {  	[sflag:s0] =	ssyncadd.tile.s32 @!p0 $0x1;
	_ =	shalt  }
.Lfunc_end2:
_tile_overlayer_lowered:
.L_overlay_start_2:
0x1b4: {  	(tag) =	ssettag $0x2  }
0x1b5: {  	s0 =	rddreg [dreg:$0x0];
	s2 =	stileid.u32  }
0x1b6: {  	s1 =	rddreg [dreg:$0x1];
	p0 =	sne.s32 s2, $0x0  }
0x1b7: {  	s3 =	rddreg [dreg:$0x2];
	[bflag:$0x3] =	sbarrier.arrive $0xFFFF;
	s2 =	simm.s32 @!p0 $0x1C05  }
0x1b8: {  	[timem:s3], [sflag:s2] =	dma.local @!p0 [hbm:s0], s1  }
0x1b9: {  	s0 =	simm.s32 @!p0 $0x5  }
0x1ba: {  	_ =	swait.ge @!p0 [sflag:s0], s1  }
0x1bb: {  	s1 =	ssub.s32 @!p0 $0x0, s1;
	[sflag:s0] =	ssyncset.done @!p0 $0x0  }
0x1bc: {  	[sflag:s0] =	ssyncadd.s32 @!p0 s1  }
0x1bd: {  	[bflag:$0x3] =	sbarrier.arrive $0xFFFF  }
0x1be: {  	_ =	shalt  }

</sc_bundles>
